<compile_context>
chip_gen: v7x
topology: tpu7x:2x2x1
jax: 0.10.2.dev20260603
libtpu: 0.0.44.dev20260713+nightly
codegen_flags: <defaults>
</compile_context>

<pallas_src>
import functools

import jax
import jax.numpy as jnp
from jax import lax
from jax.experimental import pallas as pl
from jax.experimental.pallas import tpu as pltpu
from jax.experimental.pallas import tpu_sc as plsc

VOCAB = 1000000
EMBED_DIM = 64
SEQ_LEN = 200
BATCH = 4096

ROWS_PER_STEP = 16384
N_STEPS = -(-VOCAB // ROWS_PER_STEP)

_INFO = plsc.get_sparse_core_info()
NUM_CORES = _INFO.num_cores
NUM_SUBCORES = _INFO.num_subcores
NW = NUM_CORES * NUM_SUBCORES
BPW = BATCH // NW
LANES = 16


def _score_body(ws_ref, bs_ref, t_ref, o_ref):
    prod = t_ref[...] * ws_ref[...].reshape(1, EMBED_DIM)
    o_ref[...] = jnp.sum(prod, axis=1) + bs_ref[0, 0]


def _compute_scores(table, ws, bs):
    out = pl.pallas_call(
        _score_body,
        grid=(N_STEPS,),
        in_specs=[
            pl.BlockSpec((EMBED_DIM, 1), lambda i: (0, 0)),
            pl.BlockSpec((1, 1), lambda i: (0, 0)),
            pl.BlockSpec((ROWS_PER_STEP, EMBED_DIM), lambda i: (i, 0)),
        ],
        out_specs=pl.BlockSpec((ROWS_PER_STEP,), lambda i: (i,)),
        out_shape=jax.ShapeDtypeStruct((VOCAB,), jnp.float32),
    )(ws, bs, table)
    return out


def _make_gather_sum():
    mesh = plsc.VectorSubcoreMesh(core_axis_name="c", subcore_axis_name="s")

    @functools.partial(
        pl.kernel,
        mesh=mesh,
        out_type=jax.ShapeDtypeStruct((BATCH,), jnp.float32),
        scratch_types=[
            pltpu.VMEM((SEQ_LEN, BPW), jnp.int32),
            pltpu.VMEM((SEQ_LEN, BPW), jnp.float32),
            pltpu.VMEM((BPW,), jnp.float32),
            pltpu.SemaphoreType.DMA,
        ],
    )
    def k(score_hbm, text_hbm, out_hbm, idx_v, buf_v, acc_v, sem):
        wid = lax.axis_index("s") * NUM_CORES + lax.axis_index("c")
        base = wid * BPW
        pltpu.sync_copy(text_hbm.at[:, pl.ds(base, BPW)], idx_v)

        chunk = 20
        def chunk_body(c, carry):
            s0 = c * chunk
            descs = [
                pltpu.async_copy(
                    score_hbm.at[idx_v.at[s0 + j]], buf_v.at[s0 + j], sem)
                for j in range(chunk)
            ]
            for d in descs:
                d.wait()
            return carry
        lax.fori_loop(0, SEQ_LEN // chunk, chunk_body, 0)
        for g in range(BPW // LANES):
            def body(s, acc, _g=g):
                return acc + buf_v[s, pl.ds(_g * LANES, LANES)]
            acc = lax.fori_loop(0, SEQ_LEN, body, jnp.zeros((LANES,), jnp.float32))
            acc_v[pl.ds(g * LANES, LANES)] = acc
        pltpu.sync_copy(acc_v, out_hbm.at[pl.ds(base, BPW)])

    return k


_gather_sum = _make_gather_sum()


def kernel(text, table, W, b):
    inv_s = jnp.float32(1.0 / SEQ_LEN)
    ws = (W * inv_s).reshape(EMBED_DIM, 1).astype(jnp.float32)
    bs = (b * inv_s).reshape(1, 1).astype(jnp.float32)
    score = _compute_scores(table, ws, bs)
    sums = _gather_sum(score, text.astype(jnp.int32))
    return sums.reshape(BATCH, 1)

# --- scband reference (transcript-rebuilt; emitter-appended) ---
"""Pipeline reference for scband-discriminator-30331059045143 (READ-ONLY COPY).

The authoritative reference and input builder live on the scoring server;
editing this copy changes nothing except your own understanding.
"""

import jax, jax.numpy as jnp
import numpy as np

VOCAB = 1000000
EMBED_DIM = 64
PAD_IDX = 0
SEQ_LEN = 200
BATCH = 4096

def setup_inputs(seed: int = 0) -> dict:
    key = jax.random.key(seed)
    k1, k2, k3 = jax.random.split(key, 3)
    text = jax.random.randint(k1, (SEQ_LEN, BATCH), 0, VOCAB, dtype=jnp.int64)
    table = jax.random.normal(k2, (VOCAB, EMBED_DIM), dtype=jnp.float32)
    # padding_idx row is zero-initialized in torch nn.Embedding
    table = table.at[PAD_IDX].set(0.0)
    kW, kb = jax.random.split(k3)
    bound = 1.0 / np.sqrt(EMBED_DIM)
    W = jax.random.uniform(kW, (1, EMBED_DIM), minval=-bound, maxval=bound, dtype=jnp.float32)
    b = jax.random.uniform(kb, (1,), minval=-bound, maxval=bound, dtype=jnp.float32)
    return {"text": text, "table": table, "W": W, "b": b}

def reference(text, table, W, b):
    # embedding lookup: [S, B] -> [S, B, D]
    embedded = jnp.take(table, text, axis=0)
    # permute(1, 0, 2): [B, S, D]
    embedded = jnp.transpose(embedded, (1, 0, 2))
    # avg_pool2d over (S, 1) then squeeze -> mean over seq dim: [B, D]
    pooled = jnp.mean(embedded, axis=1)
    # fc: [B, D] @ [D, 1] + [1] -> [B, 1]
    return pooled @ W.T + b

if __name__ == "__main__":
    import jax
    _d = setup_inputs()
    print(jax.jit(kernel)(*tuple(_d.values())))

</pallas_src>

<mosaic_0001>
#map = affine_map<(d0, d1) -> (0)>
#map1 = affine_map<(d0, d1) -> (0, 0)>
module attributes {stable_mosaic.version = 14 : i64} {
  func.func @k(%arg0: i32, %arg1: i32, %arg2: memref<1000000xf32, #tpu.memory_space<hbm>>, %arg3: memref<200x4096xi32, #tpu.memory_space<hbm>>, %arg4: memref<4096xf32, #tpu.memory_space<hbm>>, %arg5: memref<200x128xi32, #tpu.memory_space<vmem>>, %arg6: memref<200x128xf32, #tpu.memory_space<vmem>>, %arg7: memref<128xf32, #tpu.memory_space<vmem>>, %arg8: memref<!tpu.dma_semaphore, #tpu.memory_space<semaphore_mem>>) attributes {dimension_semantics = [#tpu.dimension_semantics<core_parallel>, #tpu.dimension_semantics<subcore_parallel>], iteration_bounds = array<i64: 2, 16>, scalar_prefetch = 0 : i64, scratch_operands = 4 : i64, tpu.core_type = #tpu.core_type<sc_vector_subcore>, window_params = [{transform_indices = #map}, {transform_indices = #map1}, {transform_indices = #map}]} {
    %mul3A = arith.constant 2 : i32
    %mul3A_0 = arith.muli %arg1, %mul3A : i32
    %add3A = arith.addi %mul3A_0, %arg0 : i32
    %mul3A_1 = arith.constant 128 : i32
    %mul3A_2 = arith.muli %add3A, %mul3A_1 : i32
    "tpu.region"() ({
      %run_scoped3A = tpu.sem_alloc : memref<!tpu.dma_semaphore, #tpu.memory_space<semaphore_mem>>
      %dma_start3A = arith.constant 0 : i32
      %dma_start3A_102 = tpu.memref_slice %arg3[%dma_start3A, %mul3A_2] : memref<200x4096xi32, #tpu.memory_space<hbm>> -> memref<200x128xi32, #tpu.memory_space<hbm>>
      %dma_start3A_103 = arith.constant 0 : i32
      %dma_start3A_104 = tpu.memref_slice %arg3[%dma_start3A_103, %mul3A_2] : memref<200x4096xi32, #tpu.memory_space<hbm>> -> memref<200x128xi32, #tpu.memory_space<hbm>>
      tpu.enqueue_dma source(%dma_start3A_104 : memref<200x128xi32, #tpu.memory_space<hbm>>) target(%arg5 : memref<200x128xi32, #tpu.memory_space<vmem>>) target_semaphore(%run_scoped3A : memref<!tpu.dma_semaphore, #tpu.memory_space<semaphore_mem>>)
      %dma_wait3A = arith.constant 0 : i32
      %dma_wait3A_105 = tpu.memref_slice %arg3[%dma_wait3A, %mul3A_2] : memref<200x4096xi32, #tpu.memory_space<hbm>> -> memref<200x128xi32, #tpu.memory_space<hbm>>
      %dma_wait3A_106 = arith.constant 0 : i32
      %dma_wait3A_107 = tpu.memref_slice %arg3[%dma_wait3A_106, %mul3A_2] : memref<200x4096xi32, #tpu.memory_space<hbm>> -> memref<200x128xi32, #tpu.memory_space<hbm>>
      tpu.wait_dma2 semaphore(%run_scoped3A : memref<!tpu.dma_semaphore, #tpu.memory_space<semaphore_mem>>) src(%dma_wait3A_107 : memref<200x128xi32, #tpu.memory_space<hbm>>) dst(%arg5 : memref<200x128xi32, #tpu.memory_space<vmem>>)
      tpu.yield
    }) : () -> ()
    %scan3A = arith.constant 0 : i32
    %scan3A_3 = arith.constant 0 : i32
    %scan3A_4 = arith.constant 10 : i32
    %scan3A_5 = arith.addi %scan3A_3, %scan3A_4 : i32
    %scan3A_6 = arith.constant 1 : i32
    scf.for %scan3A_102 = %scan3A_3 to %scan3A_5 step %scan3A_6  : i32 {
      %mul3A_103 = arith.constant 20 : i32
      %mul3A_104 = arith.muli %scan3A_102, %mul3A_103 : i32
      %add3A_105 = arith.constant 0 : i32
      %add3A_106 = arith.addi %mul3A_104, %add3A_105 : i32
      %add3A_107 = arith.constant 0 : i32
      %add3A_108 = arith.addi %mul3A_104, %add3A_107 : i32
      %dma_start3A = arith.constant 0 : i32
      %dma_start3A_109 = tpu.memref_slice %arg6[%add3A_108, %dma_start3A] : memref<200x128xf32, #tpu.memory_space<vmem>> -> memref<1x128xf32, #tpu.memory_space<vmem>>
      %dma_start3A_110 = tpu.memref_squeeze %dma_start3A_109 : memref<1x128xf32, #tpu.memory_space<vmem>> -> memref<128xf32, #tpu.memory_space<vmem>>
      %dma_start3A_111 = arith.constant 0 : i32
      %dma_start3A_112 = tpu.memref_slice %arg5[%add3A_106, %dma_start3A_111] : memref<200x128xi32, #tpu.memory_space<vmem>> -> memref<1x128xi32, #tpu.memory_space<vmem>>
      %dma_start3A_113 = tpu.memref_squeeze %dma_start3A_112 : memref<1x128xi32, #tpu.memory_space<vmem>> -> memref<128xi32, #tpu.memory_space<vmem>>
      %dma_start3A_114 = arith.constant 0 : i32
      %dma_start3A_115 = tpu.memref_slice %arg2[%dma_start3A_114] : memref<1000000xf32, #tpu.memory_space<hbm>> -> memref<1000000xf32, #tpu.memory_space<hbm>>
      tpu.enqueue_indirect_dma source(%dma_start3A_115 : memref<1000000xf32, #tpu.memory_space<hbm>>) target(%dma_start3A_110 : memref<128xf32, #tpu.memory_space<vmem>>) offsets(%dma_start3A_113 : memref<128xi32, #tpu.memory_space<vmem>>) semaphore(%arg8 : memref<!tpu.dma_semaphore, #tpu.memory_space<semaphore_mem>>)
      %add3A_116 = arith.constant 1 : i32
      %add3A_117 = arith.addi %mul3A_104, %add3A_116 : i32
      %add3A_118 = arith.constant 1 : i32
      %add3A_119 = arith.addi %mul3A_104, %add3A_118 : i32
      %dma_start3A_120 = arith.constant 0 : i32
      %dma_start3A_121 = tpu.memref_slice %arg6[%add3A_119, %dma_start3A_120] : memref<200x128xf32, #tpu.memory_space<vmem>> -> memref<1x128xf32, #tpu.memory_space<vmem>>
      %dma_start3A_122 = tpu.memref_squeeze %dma_start3A_121 : memref<1x128xf32, #tpu.memory_space<vmem>> -> memref<128xf32, #tpu.memory_space<vmem>>
      %dma_start3A_123 = arith.constant 0 : i32
      %dma_start3A_124 = tpu.memref_slice %arg5[%add3A_117, %dma_start3A_123] : memref<200x128xi32, #tpu.memory_space<vmem>> -> memref<1x128xi32, #tpu.memory_space<vmem>>
      %dma_start3A_125 = tpu.memref_squeeze %dma_start3A_124 : memref<1x128xi32, #tpu.memory_space<vmem>> -> memref<128xi32, #tpu.memory_space<vmem>>
      %dma_start3A_126 = arith.constant 0 : i32
      %dma_start3A_127 = tpu.memref_slice %arg2[%dma_start3A_126] : memref<1000000xf32, #tpu.memory_space<hbm>> -> memref<1000000xf32, #tpu.memory_space<hbm>>
      tpu.enqueue_indirect_dma source(%dma_start3A_127 : memref<1000000xf32, #tpu.memory_space<hbm>>) target(%dma_start3A_122 : memref<128xf32, #tpu.memory_space<vmem>>) offsets(%dma_start3A_125 : memref<128xi32, #tpu.memory_space<vmem>>) semaphore(%arg8 : memref<!tpu.dma_semaphore, #tpu.memory_space<semaphore_mem>>)
      %add3A_128 = arith.constant 2 : i32
      %add3A_129 = arith.addi %mul3A_104, %add3A_128 : i32
      %add3A_130 = arith.constant 2 : i32
      %add3A_131 = arith.addi %mul3A_104, %add3A_130 : i32
      %dma_start3A_132 = arith.constant 0 : i32
      %dma_start3A_133 = tpu.memref_slice %arg6[%add3A_131, %dma_start3A_132] : memref<200x128xf32, #tpu.memory_space<vmem>> -> memref<1x128xf32, #tpu.memory_space<vmem>>
      %dma_start3A_134 = tpu.memref_squeeze %dma_start3A_133 : memref<1x128xf32, #tpu.memory_space<vmem>> -> memref<128xf32, #tpu.memory_space<vmem>>
      %dma_start3A_135 = arith.constant 0 : i32
      %dma_start3A_136 = tpu.memref_slice %arg5[%add3A_129, %dma_start3A_135] : memref<200x128xi32, #tpu.memory_space<vmem>> -> memref<1x128xi32, #tpu.memory_space<vmem>>
      %dma_start3A_137 = tpu.memref_squeeze %dma_start3A_136 : memref<1x128xi32, #tpu.memory_space<vmem>> -> memref<128xi32, #tpu.memory_space<vmem>>
      %dma_start3A_138 = arith.constant 0 : i32
      %dma_start3A_139 = tpu.memref_slice %arg2[%dma_start3A_138] : memref<1000000xf32, #tpu.memory_space<hbm>> -> memref<1000000xf32, #tpu.memory_space<hbm>>
      tpu.enqueue_indirect_dma source(%dma_start3A_139 : memref<1000000xf32, #tpu.memory_space<hbm>>) target(%dma_start3A_134 : memref<128xf32, #tpu.memory_space<vmem>>) offsets(%dma_start3A_137 : memref<128xi32, #tpu.memory_space<vmem>>) semaphore(%arg8 : memref<!tpu.dma_semaphore, #tpu.memory_space<semaphore_mem>>)
      %add3A_140 = arith.constant 3 : i32
      %add3A_141 = arith.addi %mul3A_104, %add3A_140 : i32
      %add3A_142 = arith.constant 3 : i32
      %add3A_143 = arith.addi %mul3A_104, %add3A_142 : i32
      %dma_start3A_144 = arith.constant 0 : i32
      %dma_start3A_145 = tpu.memref_slice %arg6[%add3A_143, %dma_start3A_144] : memref<200x128xf32, #tpu.memory_space<vmem>> -> memref<1x128xf32, #tpu.memory_space<vmem>>
      %dma_start3A_146 = tpu.memref_squeeze %dma_start3A_145 : memref<1x128xf32, #tpu.memory_space<vmem>> -> memref<128xf32, #tpu.memory_space<vmem>>
      %dma_start3A_147 = arith.constant 0 : i32
      %dma_start3A_148 = tpu.memref_slice %arg5[%add3A_141, %dma_start3A_147] : memref<200x128xi32, #tpu.memory_space<vmem>> -> memref<1x128xi32, #tpu.memory_space<vmem>>
      %dma_start3A_149 = tpu.memref_squeeze %dma_start3A_148 : memref<1x128xi32, #tpu.memory_space<vmem>> -> memref<128xi32, #tpu.memory_space<vmem>>
      %dma_start3A_150 = arith.constant 0 : i32
      %dma_start3A_151 = tpu.memref_slice %arg2[%dma_start3A_150] : memref<1000000xf32, #tpu.memory_space<hbm>> -> memref<1000000xf32, #tpu.memory_space<hbm>>
      tpu.enqueue_indirect_dma source(%dma_start3A_151 : memref<1000000xf32, #tpu.memory_space<hbm>>) target(%dma_start3A_146 : memref<128xf32, #tpu.memory_space<vmem>>) offsets(%dma_start3A_149 : memref<128xi32, #tpu.memory_space<vmem>>) semaphore(%arg8 : memref<!tpu.dma_semaphore, #tpu.memory_space<semaphore_mem>>)
      %add3A_152 = arith.constant 4 : i32
      %add3A_153 = arith.addi %mul3A_104, %add3A_152 : i32
      %add3A_154 = arith.constant 4 : i32
      %add3A_155 = arith.addi %mul3A_104, %add3A_154 : i32
      %dma_start3A_156 = arith.constant 0 : i32
      %dma_start3A_157 = tpu.memref_slice %arg6[%add3A_155, %dma_start3A_156] : memref<200x128xf32, #tpu.memory_space<vmem>> -> memref<1x128xf32, #tpu.memory_space<vmem>>
      %dma_start3A_158 = tpu.memref_squeeze %dma_start3A_157 : memref<1x128xf32, #tpu.memory_space<vmem>> -> memref<128xf32, #tpu.memory_space<vmem>>
      %dma_start3A_159 = arith.constant 0 : i32
      %dma_start3A_160 = tpu.memref_slice %arg5[%add3A_153, %dma_start3A_159] : memref<200x128xi32, #tpu.memory_space<vmem>> -> memref<1x128xi32, #tpu.memory_space<vmem>>
      %dma_start3A_161 = tpu.memref_squeeze %dma_start3A_160 : memref<1x128xi32, #tpu.memory_space<vmem>> -> memref<128xi32, #tpu.memory_space<vmem>>
      %dma_start3A_162 = arith.constant 0 : i32
      %dma_start3A_163 = tpu.memref_slice %arg2[%dma_start3A_162] : memref<1000000xf32, #tpu.memory_space<hbm>> -> memref<1000000xf32, #tpu.memory_space<hbm>>
      tpu.enqueue_indirect_dma source(%dma_start3A_163 : memref<1000000xf32, #tpu.memory_space<hbm>>) target(%dma_start3A_158 : memref<128xf32, #tpu.memory_space<vmem>>) offsets(%dma_start3A_161 : memref<128xi32, #tpu.memory_space<vmem>>) semaphore(%arg8 : memref<!tpu.dma_semaphore, #tpu.memory_space<semaphore_mem>>)
      %add3A_164 = arith.constant 5 : i32
      %add3A_165 = arith.addi %mul3A_104, %add3A_164 : i32
      %add3A_166 = arith.constant 5 : i32
      %add3A_167 = arith.addi %mul3A_104, %add3A_166 : i32
      %dma_start3A_168 = arith.constant 0 : i32
      %dma_start3A_169 = tpu.memref_slice %arg6[%add3A_167, %dma_start3A_168] : memref<200x128xf32, #tpu.memory_space<vmem>> -> memref<1x128xf32, #tpu.memory_space<vmem>>
      %dma_start3A_170 = tpu.memref_squeeze %dma_start3A_169 : memref<1x128xf32, #tpu.memory_space<vmem>> -> memref<128xf32, #tpu.memory_space<vmem>>
      %dma_start3A_171 = arith.constant 0 : i32
      %dma_start3A_172 = tpu.memref_slice %arg5[%add3A_165, %dma_start3A_171] : memref<200x128xi32, #tpu.memory_space<vmem>> -> memref<1x128xi32, #tpu.memory_space<vmem>>
      %dma_start3A_173 = tpu.memref_squeeze %dma_start3A_172 : memref<1x128xi32, #tpu.memory_space<vmem>> -> memref<128xi32, #tpu.memory_space<vmem>>
      %dma_start3A_174 = arith.constant 0 : i32
      %dma_start3A_175 = tpu.memref_slice %arg2[%dma_start3A_174] : memref<1000000xf32, #tpu.memory_space<hbm>> -> memref<1000000xf32, #tpu.memory_space<hbm>>
      tpu.enqueue_indirect_dma source(%dma_start3A_175 : memref<1000000xf32, #tpu.memory_space<hbm>>) target(%dma_start3A_170 : memref<128xf32, #tpu.memory_space<vmem>>) offsets(%dma_start3A_173 : memref<128xi32, #tpu.memory_space<vmem>>) semaphore(%arg8 : memref<!tpu.dma_semaphore, #tpu.memory_space<semaphore_mem>>)
      %add3A_176 = arith.constant 6 : i32
      %add3A_177 = arith.addi %mul3A_104, %add3A_176 : i32
      %add3A_178 = arith.constant 6 : i32
      %add3A_179 = arith.addi %mul3A_104, %add3A_178 : i32
      %dma_start3A_180 = arith.constant 0 : i32
      %dma_start3A_181 = tpu.memref_slice %arg6[%add3A_179, %dma_start3A_180] : memref<200x128xf32, #tpu.memory_space<vmem>> -> memref<1x128xf32, #tpu.memory_space<vmem>>
      %dma_start3A_182 = tpu.memref_squeeze %dma_start3A_181 : memref<1x128xf32, #tpu.memory_space<vmem>> -> memref<128xf32, #tpu.memory_space<vmem>>
      %dma_start3A_183 = arith.constant 0 : i32
      %dma_start3A_184 = tpu.memref_slice %arg5[%add3A_177, %dma_start3A_183] : memref<200x128xi32, #tpu.memory_space<vmem>> -> memref<1x128xi32, #tpu.memory_space<vmem>>
      %dma_start3A_185 = tpu.memref_squeeze %dma_start3A_184 : memref<1x128xi32, #tpu.memory_space<vmem>> -> memref<128xi32, #tpu.memory_space<vmem>>
      %dma_start3A_186 = arith.constant 0 : i32
      %dma_start3A_187 = tpu.memref_slice %arg2[%dma_start3A_186] : memref<1000000xf32, #tpu.memory_space<hbm>> -> memref<1000000xf32, #tpu.memory_space<hbm>>
      tpu.enqueue_indirect_dma source(%dma_start3A_187 : memref<1000000xf32, #tpu.memory_space<hbm>>) target(%dma_start3A_182 : memref<128xf32, #tpu.memory_space<vmem>>) offsets(%dma_start3A_185 : memref<128xi32, #tpu.memory_space<vmem>>) semaphore(%arg8 : memref<!tpu.dma_semaphore, #tpu.memory_space<semaphore_mem>>)
      %add3A_188 = arith.constant 7 : i32
      %add3A_189 = arith.addi %mul3A_104, %add3A_188 : i32
      %add3A_190 = arith.constant 7 : i32
      %add3A_191 = arith.addi %mul3A_104, %add3A_190 : i32
      %dma_start3A_192 = arith.constant 0 : i32
      %dma_start3A_193 = tpu.memref_slice %arg6[%add3A_191, %dma_start3A_192] : memref<200x128xf32, #tpu.memory_space<vmem>> -> memref<1x128xf32, #tpu.memory_space<vmem>>
      %dma_start3A_194 = tpu.memref_squeeze %dma_start3A_193 : memref<1x128xf32, #tpu.memory_space<vmem>> -> memref<128xf32, #tpu.memory_space<vmem>>
      %dma_start3A_195 = arith.constant 0 : i32
      %dma_start3A_196 = tpu.memref_slice %arg5[%add3A_189, %dma_start3A_195] : memref<200x128xi32, #tpu.memory_space<vmem>> -> memref<1x128xi32, #tpu.memory_space<vmem>>
      %dma_start3A_197 = tpu.memref_squeeze %dma_start3A_196 : memref<1x128xi32, #tpu.memory_space<vmem>> -> memref<128xi32, #tpu.memory_space<vmem>>
      %dma_start3A_198 = arith.constant 0 : i32
      %dma_start3A_199 = tpu.memref_slice %arg2[%dma_start3A_198] : memref<1000000xf32, #tpu.memory_space<hbm>> -> memref<1000000xf32, #tpu.memory_space<hbm>>
      tpu.enqueue_indirect_dma source(%dma_start3A_199 : memref<1000000xf32, #tpu.memory_space<hbm>>) target(%dma_start3A_194 : memref<128xf32, #tpu.memory_space<vmem>>) offsets(%dma_start3A_197 : memref<128xi32, #tpu.memory_space<vmem>>) semaphore(%arg8 : memref<!tpu.dma_semaphore, #tpu.memory_space<semaphore_mem>>)
      %add3A_200 = arith.constant 8 : i32
      %add3A_201 = arith.addi %mul3A_104, %add3A_200 : i32
      %add3A_202 = arith.constant 8 : i32
      %add3A_203 = arith.addi %mul3A_104, %add3A_202 : i32
      %dma_start3A_204 = arith.constant 0 : i32
      %dma_start3A_205 = tpu.memref_slice %arg6[%add3A_203, %dma_start3A_204] : memref<200x128xf32, #tpu.memory_space<vmem>> -> memref<1x128xf32, #tpu.memory_space<vmem>>
      %dma_start3A_206 = tpu.memref_squeeze %dma_start3A_205 : memref<1x128xf32, #tpu.memory_space<vmem>> -> memref<128xf32, #tpu.memory_space<vmem>>
      %dma_start3A_207 = arith.constant 0 : i32
      %dma_start3A_208 = tpu.memref_slice %arg5[%add3A_201, %dma_start3A_207] : memref<200x128xi32, #tpu.memory_space<vmem>> -> memref<1x128xi32, #tpu.memory_space<vmem>>
      %dma_start3A_209 = tpu.memref_squeeze %dma_start3A_208 : memref<1x128xi32, #tpu.memory_space<vmem>> -> memref<128xi32, #tpu.memory_space<vmem>>
      %dma_start3A_210 = arith.constant 0 : i32
      %dma_start3A_211 = tpu.memref_slice %arg2[%dma_start3A_210] : memref<1000000xf32, #tpu.memory_space<hbm>> -> memref<1000000xf32, #tpu.memory_space<hbm>>
      tpu.enqueue_indirect_dma source(%dma_start3A_211 : memref<1000000xf32, #tpu.memory_space<hbm>>) target(%dma_start3A_206 : memref<128xf32, #tpu.memory_space<vmem>>) offsets(%dma_start3A_209 : memref<128xi32, #tpu.memory_space<vmem>>) semaphore(%arg8 : memref<!tpu.dma_semaphore, #tpu.memory_space<semaphore_mem>>)
      %add3A_212 = arith.constant 9 : i32
      %add3A_213 = arith.addi %mul3A_104, %add3A_212 : i32
      %add3A_214 = arith.constant 9 : i32
      %add3A_215 = arith.addi %mul3A_104, %add3A_214 : i32
      %dma_start3A_216 = arith.constant 0 : i32
      %dma_start3A_217 = tpu.memref_slice %arg6[%add3A_215, %dma_start3A_216] : memref<200x128xf32, #tpu.memory_space<vmem>> -> memref<1x128xf32, #tpu.memory_space<vmem>>
      %dma_start3A_218 = tpu.memref_squeeze %dma_start3A_217 : memref<1x128xf32, #tpu.memory_space<vmem>> -> memref<128xf32, #tpu.memory_space<vmem>>
      %dma_start3A_219 = arith.constant 0 : i32
      %dma_start3A_220 = tpu.memref_slice %arg5[%add3A_213, %dma_start3A_219] : memref<200x128xi32, #tpu.memory_space<vmem>> -> memref<1x128xi32, #tpu.memory_space<vmem>>
      %dma_start3A_221 = tpu.memref_squeeze %dma_start3A_220 : memref<1x128xi32, #tpu.memory_space<vmem>> -> memref<128xi32, #tpu.memory_space<vmem>>
      %dma_start3A_222 = arith.constant 0 : i32
      %dma_start3A_223 = tpu.memref_slice %arg2[%dma_start3A_222] : memref<1000000xf32, #tpu.memory_space<hbm>> -> memref<1000000xf32, #tpu.memory_space<hbm>>
      tpu.enqueue_indirect_dma source(%dma_start3A_223 : memref<1000000xf32, #tpu.memory_space<hbm>>) target(%dma_start3A_218 : memref<128xf32, #tpu.memory_space<vmem>>) offsets(%dma_start3A_221 : memref<128xi32, #tpu.memory_space<vmem>>) semaphore(%arg8 : memref<!tpu.dma_semaphore, #tpu.memory_space<semaphore_mem>>)
      %add3A_224 = arith.constant 10 : i32
      %add3A_225 = arith.addi %mul3A_104, %add3A_224 : i32
      %add3A_226 = arith.constant 10 : i32
      %add3A_227 = arith.addi %mul3A_104, %add3A_226 : i32
      %dma_start3A_228 = arith.constant 0 : i32
      %dma_start3A_229 = tpu.memref_slice %arg6[%add3A_227, %dma_start3A_228] : memref<200x128xf32, #tpu.memory_space<vmem>> -> memref<1x128xf32, #tpu.memory_space<vmem>>
      %dma_start3A_230 = tpu.memref_squeeze %dma_start3A_229 : memref<1x128xf32, #tpu.memory_space<vmem>> -> memref<128xf32, #tpu.memory_space<vmem>>
      %dma_start3A_231 = arith.constant 0 : i32
      %dma_start3A_232 = tpu.memref_slice %arg5[%add3A_225, %dma_start3A_231] : memref<200x128xi32, #tpu.memory_space<vmem>> -> memref<1x128xi32, #tpu.memory_space<vmem>>
      %dma_start3A_233 = tpu.memref_squeeze %dma_start3A_232 : memref<1x128xi32, #tpu.memory_space<vmem>> -> memref<128xi32, #tpu.memory_space<vmem>>
      %dma_start3A_234 = arith.constant 0 : i32
      %dma_start3A_235 = tpu.memref_slice %arg2[%dma_start3A_234] : memref<1000000xf32, #tpu.memory_space<hbm>> -> memref<1000000xf32, #tpu.memory_space<hbm>>
      tpu.enqueue_indirect_dma source(%dma_start3A_235 : memref<1000000xf32, #tpu.memory_space<hbm>>) target(%dma_start3A_230 : memref<128xf32, #tpu.memory_space<vmem>>) offsets(%dma_start3A_233 : memref<128xi32, #tpu.memory_space<vmem>>) semaphore(%arg8 : memref<!tpu.dma_semaphore, #tpu.memory_space<semaphore_mem>>)
      %add3A_236 = arith.constant 11 : i32
      %add3A_237 = arith.addi %mul3A_104, %add3A_236 : i32
      %add3A_238 = arith.constant 11 : i32
      %add3A_239 = arith.addi %mul3A_104, %add3A_238 : i32
      %dma_start3A_240 = arith.constant 0 : i32
      %dma_start3A_241 = tpu.memref_slice %arg6[%add3A_239, %dma_start3A_240] : memref<200x128xf32, #tpu.memory_space<vmem>> -> memref<1x128xf32, #tpu.memory_space<vmem>>
      %dma_start3A_242 = tpu.memref_squeeze %dma_start3A_241 : memref<1x128xf32, #tpu.memory_space<vmem>> -> memref<128xf32, #tpu.memory_space<vmem>>
      %dma_start3A_243 = arith.constant 0 : i32
      %dma_start3A_244 = tpu.memref_slice %arg5[%add3A_237, %dma_start3A_243] : memref<200x128xi32, #tpu.memory_space<vmem>> -> memref<1x128xi32, #tpu.memory_space<vmem>>
      %dma_start3A_245 = tpu.memref_squeeze %dma_start3A_244 : memref<1x128xi32, #tpu.memory_space<vmem>> -> memref<128xi32, #tpu.memory_space<vmem>>
      %dma_start3A_246 = arith.constant 0 : i32
      %dma_start3A_247 = tpu.memref_slice %arg2[%dma_start3A_246] : memref<1000000xf32, #tpu.memory_space<hbm>> -> memref<1000000xf32, #tpu.memory_space<hbm>>
      tpu.enqueue_indirect_dma source(%dma_start3A_247 : memref<1000000xf32, #tpu.memory_space<hbm>>) target(%dma_start3A_242 : memref<128xf32, #tpu.memory_space<vmem>>) offsets(%dma_start3A_245 : memref<128xi32, #tpu.memory_space<vmem>>) semaphore(%arg8 : memref<!tpu.dma_semaphore, #tpu.memory_space<semaphore_mem>>)
      %add3A_248 = arith.constant 12 : i32
      %add3A_249 = arith.addi %mul3A_104, %add3A_248 : i32
      %add3A_250 = arith.constant 12 : i32
      %add3A_251 = arith.addi %mul3A_104, %add3A_250 : i32
      %dma_start3A_252 = arith.constant 0 : i32
      %dma_start3A_253 = tpu.memref_slice %arg6[%add3A_251, %dma_start3A_252] : memref<200x128xf32, #tpu.memory_space<vmem>> -> memref<1x128xf32, #tpu.memory_space<vmem>>
      %dma_start3A_254 = tpu.memref_squeeze %dma_start3A_253 : memref<1x128xf32, #tpu.memory_space<vmem>> -> memref<128xf32, #tpu.memory_space<vmem>>
      %dma_start3A_255 = arith.constant 0 : i32
      %dma_start3A_256 = tpu.memref_slice %arg5[%add3A_249, %dma_start3A_255] : memref<200x128xi32, #tpu.memory_space<vmem>> -> memref<1x128xi32, #tpu.memory_space<vmem>>
      %dma_start3A_257 = tpu.memref_squeeze %dma_start3A_256 : memref<1x128xi32, #tpu.memory_space<vmem>> -> memref<128xi32, #tpu.memory_space<vmem>>
      %dma_start3A_258 = arith.constant 0 : i32
      %dma_start3A_259 = tpu.memref_slice %arg2[%dma_start3A_258] : memref<1000000xf32, #tpu.memory_space<hbm>> -> memref<1000000xf32, #tpu.memory_space<hbm>>
      tpu.enqueue_indirect_dma source(%dma_start3A_259 : memref<1000000xf32, #tpu.memory_space<hbm>>) target(%dma_start3A_254 : memref<128xf32, #tpu.memory_space<vmem>>) offsets(%dma_start3A_257 : memref<128xi32, #tpu.memory_space<vmem>>) semaphore(%arg8 : memref<!tpu.dma_semaphore, #tpu.memory_space<semaphore_mem>>)
      %add3A_260 = arith.constant 13 : i32
      %add3A_261 = arith.addi %mul3A_104, %add3A_260 : i32
      %add3A_262 = arith.constant 13 : i32
      %add3A_263 = arith.addi %mul3A_104, %add3A_262 : i32
      %dma_start3A_264 = arith.constant 0 : i32
      %dma_start3A_265 = tpu.memref_slice %arg6[%add3A_263, %dma_start3A_264] : memref<200x128xf32, #tpu.memory_space<vmem>> -> memref<1x128xf32, #tpu.memory_space<vmem>>
      %dma_start3A_266 = tpu.memref_squeeze %dma_start3A_265 : memref<1x128xf32, #tpu.memory_space<vmem>> -> memref<128xf32, #tpu.memory_space<vmem>>
      %dma_start3A_267 = arith.constant 0 : i32
      %dma_start3A_268 = tpu.memref_slice %arg5[%add3A_261, %dma_start3A_267] : memref<200x128xi32, #tpu.memory_space<vmem>> -> memref<1x128xi32, #tpu.memory_space<vmem>>
      %dma_start3A_269 = tpu.memref_squeeze %dma_start3A_268 : memref<1x128xi32, #tpu.memory_space<vmem>> -> memref<128xi32, #tpu.memory_space<vmem>>
      %dma_start3A_270 = arith.constant 0 : i32
      %dma_start3A_271 = tpu.memref_slice %arg2[%dma_start3A_270] : memref<1000000xf32, #tpu.memory_space<hbm>> -> memref<1000000xf32, #tpu.memory_space<hbm>>
      tpu.enqueue_indirect_dma source(%dma_start3A_271 : memref<1000000xf32, #tpu.memory_space<hbm>>) target(%dma_start3A_266 : memref<128xf32, #tpu.memory_space<vmem>>) offsets(%dma_start3A_269 : memref<128xi32, #tpu.memory_space<vmem>>) semaphore(%arg8 : memref<!tpu.dma_semaphore, #tpu.memory_space<semaphore_mem>>)
      %add3A_272 = arith.constant 14 : i32
      %add3A_273 = arith.addi %mul3A_104, %add3A_272 : i32
      %add3A_274 = arith.constant 14 : i32
      %add3A_275 = arith.addi %mul3A_104, %add3A_274 : i32
      %dma_start3A_276 = arith.constant 0 : i32
      %dma_start3A_277 = tpu.memref_slice %arg6[%add3A_275, %dma_start3A_276] : memref<200x128xf32, #tpu.memory_space<vmem>> -> memref<1x128xf32, #tpu.memory_space<vmem>>
      %dma_start3A_278 = tpu.memref_squeeze %dma_start3A_277 : memref<1x128xf32, #tpu.memory_space<vmem>> -> memref<128xf32, #tpu.memory_space<vmem>>
      %dma_start3A_279 = arith.constant 0 : i32
      %dma_start3A_280 = tpu.memref_slice %arg5[%add3A_273, %dma_start3A_279] : memref<200x128xi32, #tpu.memory_space<vmem>> -> memref<1x128xi32, #tpu.memory_space<vmem>>
      %dma_start3A_281 = tpu.memref_squeeze %dma_start3A_280 : memref<1x128xi32, #tpu.memory_space<vmem>> -> memref<128xi32, #tpu.memory_space<vmem>>
      %dma_start3A_282 = arith.constant 0 : i32
      %dma_start3A_283 = tpu.memref_slice %arg2[%dma_start3A_282] : memref<1000000xf32, #tpu.memory_space<hbm>> -> memref<1000000xf32, #tpu.memory_space<hbm>>
      tpu.enqueue_indirect_dma source(%dma_start3A_283 : memref<1000000xf32, #tpu.memory_space<hbm>>) target(%dma_start3A_278 : memref<128xf32, #tpu.memory_space<vmem>>) offsets(%dma_start3A_281 : memref<128xi32, #tpu.memory_space<vmem>>) semaphore(%arg8 : memref<!tpu.dma_semaphore, #tpu.memory_space<semaphore_mem>>)
      %add3A_284 = arith.constant 15 : i32
      %add3A_285 = arith.addi %mul3A_104, %add3A_284 : i32
      %add3A_286 = arith.constant 15 : i32
      %add3A_287 = arith.addi %mul3A_104, %add3A_286 : i32
      %dma_start3A_288 = arith.constant 0 : i32
      %dma_start3A_289 = tpu.memref_slice %arg6[%add3A_287, %dma_start3A_288] : memref<200x128xf32, #tpu.memory_space<vmem>> -> memref<1x128xf32, #tpu.memory_space<vmem>>
      %dma_start3A_290 = tpu.memref_squeeze %dma_start3A_289 : memref<1x128xf32, #tpu.memory_space<vmem>> -> memref<128xf32, #tpu.memory_space<vmem>>
      %dma_start3A_291 = arith.constant 0 : i32
      %dma_start3A_292 = tpu.memref_slice %arg5[%add3A_285, %dma_start3A_291] : memref<200x128xi32, #tpu.memory_space<vmem>> -> memref<1x128xi32, #tpu.memory_space<vmem>>
      %dma_start3A_293 = tpu.memref_squeeze %dma_start3A_292 : memref<1x128xi32, #tpu.memory_space<vmem>> -> memref<128xi32, #tpu.memory_space<vmem>>
      %dma_start3A_294 = arith.constant 0 : i32
      %dma_start3A_295 = tpu.memref_slice %arg2[%dma_start3A_294] : memref<1000000xf32, #tpu.memory_space<hbm>> -> memref<1000000xf32, #tpu.memory_space<hbm>>
      tpu.enqueue_indirect_dma source(%dma_start3A_295 : memref<1000000xf32, #tpu.memory_space<hbm>>) target(%dma_start3A_290 : memref<128xf32, #tpu.memory_space<vmem>>) offsets(%dma_start3A_293 : memref<128xi32, #tpu.memory_space<vmem>>) semaphore(%arg8 : memref<!tpu.dma_semaphore, #tpu.memory_space<semaphore_mem>>)
      %add3A_296 = arith.constant 16 : i32
      %add3A_297 = arith.addi %mul3A_104, %add3A_296 : i32
      %add3A_298 = arith.constant 16 : i32
      %add3A_299 = arith.addi %mul3A_104, %add3A_298 : i32
      %dma_start3A_300 = arith.constant 0 : i32
      %dma_start3A_301 = tpu.memref_slice %arg6[%add3A_299, %dma_start3A_300] : memref<200x128xf32, #tpu.memory_space<vmem>> -> memref<1x128xf32, #tpu.memory_space<vmem>>
      %dma_start3A_302 = tpu.memref_squeeze %dma_start3A_301 : memref<1x128xf32, #tpu.memory_space<vmem>> -> memref<128xf32, #tpu.memory_space<vmem>>
      %dma_start3A_303 = arith.constant 0 : i32
      %dma_start3A_304 = tpu.memref_slice %arg5[%add3A_297, %dma_start3A_303] : memref<200x128xi32, #tpu.memory_space<vmem>> -> memref<1x128xi32, #tpu.memory_space<vmem>>
      %dma_start3A_305 = tpu.memref_squeeze %dma_start3A_304 : memref<1x128xi32, #tpu.memory_space<vmem>> -> memref<128xi32, #tpu.memory_space<vmem>>
      %dma_start3A_306 = arith.constant 0 : i32
      %dma_start3A_307 = tpu.memref_slice %arg2[%dma_start3A_306] : memref<1000000xf32, #tpu.memory_space<hbm>> -> memref<1000000xf32, #tpu.memory_space<hbm>>
      tpu.enqueue_indirect_dma source(%dma_start3A_307 : memref<1000000xf32, #tpu.memory_space<hbm>>) target(%dma_start3A_302 : memref<128xf32, #tpu.memory_space<vmem>>) offsets(%dma_start3A_305 : memref<128xi32, #tpu.memory_space<vmem>>) semaphore(%arg8 : memref<!tpu.dma_semaphore, #tpu.memory_space<semaphore_mem>>)
      %add3A_308 = arith.constant 17 : i32
      %add3A_309 = arith.addi %mul3A_104, %add3A_308 : i32
      %add3A_310 = arith.constant 17 : i32
      %add3A_311 = arith.addi %mul3A_104, %add3A_310 : i32
      %dma_start3A_312 = arith.constant 0 : i32
      %dma_start3A_313 = tpu.memref_slice %arg6[%add3A_311, %dma_start3A_312] : memref<200x128xf32, #tpu.memory_space<vmem>> -> memref<1x128xf32, #tpu.memory_space<vmem>>
      %dma_start3A_314 = tpu.memref_squeeze %dma_start3A_313 : memref<1x128xf32, #tpu.memory_space<vmem>> -> memref<128xf32, #tpu.memory_space<vmem>>
      %dma_start3A_315 = arith.constant 0 : i32
      %dma_start3A_316 = tpu.memref_slice %arg5[%add3A_309, %dma_start3A_315] : memref<200x128xi32, #tpu.memory_space<vmem>> -> memref<1x128xi32, #tpu.memory_space<vmem>>
      %dma_start3A_317 = tpu.memref_squeeze %dma_start3A_316 : memref<1x128xi32, #tpu.memory_space<vmem>> -> memref<128xi32, #tpu.memory_space<vmem>>
      %dma_start3A_318 = arith.constant 0 : i32
      %dma_start3A_319 = tpu.memref_slice %arg2[%dma_start3A_318] : memref<1000000xf32, #tpu.memory_space<hbm>> -> memref<1000000xf32, #tpu.memory_space<hbm>>
      tpu.enqueue_indirect_dma source(%dma_start3A_319 : memref<1000000xf32, #tpu.memory_space<hbm>>) target(%dma_start3A_314 : memref<128xf32, #tpu.memory_space<vmem>>) offsets(%dma_start3A_317 : memref<128xi32, #tpu.memory_space<vmem>>) semaphore(%arg8 : memref<!tpu.dma_semaphore, #tpu.memory_space<semaphore_mem>>)
      %add3A_320 = arith.constant 18 : i32
      %add3A_321 = arith.addi %mul3A_104, %add3A_320 : i32
      %add3A_322 = arith.constant 18 : i32
      %add3A_323 = arith.addi %mul3A_104, %add3A_322 : i32
      %dma_start3A_324 = arith.constant 0 : i32
      %dma_start3A_325 = tpu.memref_slice %arg6[%add3A_323, %dma_start3A_324] : memref<200x128xf32, #tpu.memory_space<vmem>> -> memref<1x128xf32, #tpu.memory_space<vmem>>
      %dma_start3A_326 = tpu.memref_squeeze %dma_start3A_325 : memref<1x128xf32, #tpu.memory_space<vmem>> -> memref<128xf32, #tpu.memory_space<vmem>>
      %dma_start3A_327 = arith.constant 0 : i32
      %dma_start3A_328 = tpu.memref_slice %arg5[%add3A_321, %dma_start3A_327] : memref<200x128xi32, #tpu.memory_space<vmem>> -> memref<1x128xi32, #tpu.memory_space<vmem>>
      %dma_start3A_329 = tpu.memref_squeeze %dma_start3A_328 : memref<1x128xi32, #tpu.memory_space<vmem>> -> memref<128xi32, #tpu.memory_space<vmem>>
      %dma_start3A_330 = arith.constant 0 : i32
      %dma_start3A_331 = tpu.memref_slice %arg2[%dma_start3A_330] : memref<1000000xf32, #tpu.memory_space<hbm>> -> memref<1000000xf32, #tpu.memory_space<hbm>>
      tpu.enqueue_indirect_dma source(%dma_start3A_331 : memref<1000000xf32, #tpu.memory_space<hbm>>) target(%dma_start3A_326 : memref<128xf32, #tpu.memory_space<vmem>>) offsets(%dma_start3A_329 : memref<128xi32, #tpu.memory_space<vmem>>) semaphore(%arg8 : memref<!tpu.dma_semaphore, #tpu.memory_space<semaphore_mem>>)
      %add3A_332 = arith.constant 19 : i32
      %add3A_333 = arith.addi %mul3A_104, %add3A_332 : i32
      %add3A_334 = arith.constant 19 : i32
      %add3A_335 = arith.addi %mul3A_104, %add3A_334 : i32
      %dma_start3A_336 = arith.constant 0 : i32
      %dma_start3A_337 = tpu.memref_slice %arg6[%add3A_335, %dma_start3A_336] : memref<200x128xf32, #tpu.memory_space<vmem>> -> memref<1x128xf32, #tpu.memory_space<vmem>>
      %dma_start3A_338 = tpu.memref_squeeze %dma_start3A_337 : memref<1x128xf32, #tpu.memory_space<vmem>> -> memref<128xf32, #tpu.memory_space<vmem>>
      %dma_start3A_339 = arith.constant 0 : i32
      %dma_start3A_340 = tpu.memref_slice %arg5[%add3A_333, %dma_start3A_339] : memref<200x128xi32, #tpu.memory_space<vmem>> -> memref<1x128xi32, #tpu.memory_space<vmem>>
      %dma_start3A_341 = tpu.memref_squeeze %dma_start3A_340 : memref<1x128xi32, #tpu.memory_space<vmem>> -> memref<128xi32, #tpu.memory_space<vmem>>
      %dma_start3A_342 = arith.constant 0 : i32
      %dma_start3A_343 = tpu.memref_slice %arg2[%dma_start3A_342] : memref<1000000xf32, #tpu.memory_space<hbm>> -> memref<1000000xf32, #tpu.memory_space<hbm>>
      tpu.enqueue_indirect_dma source(%dma_start3A_343 : memref<1000000xf32, #tpu.memory_space<hbm>>) target(%dma_start3A_338 : memref<128xf32, #tpu.memory_space<vmem>>) offsets(%dma_start3A_341 : memref<128xi32, #tpu.memory_space<vmem>>) semaphore(%arg8 : memref<!tpu.dma_semaphore, #tpu.memory_space<semaphore_mem>>)
      %dma_wait3A = arith.constant 0 : i32
      %dma_wait3A_344 = tpu.memref_slice %arg6[%add3A_108, %dma_wait3A] : memref<200x128xf32, #tpu.memory_space<vmem>> -> memref<1x128xf32, #tpu.memory_space<vmem>>
      %dma_wait3A_345 = tpu.memref_squeeze %dma_wait3A_344 : memref<1x128xf32, #tpu.memory_space<vmem>> -> memref<128xf32, #tpu.memory_space<vmem>>
      %dma_wait3A_346 = arith.constant 0 : i32
      %dma_wait3A_347 = tpu.memref_slice %arg5[%add3A_106, %dma_wait3A_346] : memref<200x128xi32, #tpu.memory_space<vmem>> -> memref<1x128xi32, #tpu.memory_space<vmem>>
      %dma_wait3A_348 = tpu.memref_squeeze %dma_wait3A_347 : memref<1x128xi32, #tpu.memory_space<vmem>> -> memref<128xi32, #tpu.memory_space<vmem>>
      %dma_wait3A_349 = arith.constant 0 : i32
      %dma_wait3A_350 = tpu.memref_slice %arg2[%dma_wait3A_349] : memref<1000000xf32, #tpu.memory_space<hbm>> -> memref<1000000xf32, #tpu.memory_space<hbm>>
      tpu.wait_indirect_dma semaphore(%arg8 : memref<!tpu.dma_semaphore, #tpu.memory_space<semaphore_mem>>) src(%dma_wait3A_350 : memref<1000000xf32, #tpu.memory_space<hbm>>) dst(%dma_wait3A_345 : memref<128xf32, #tpu.memory_space<vmem>>)
      %dma_wait3A_351 = arith.constant 0 : i32
      %dma_wait3A_352 = tpu.memref_slice %arg6[%add3A_119, %dma_wait3A_351] : memref<200x128xf32, #tpu.memory_space<vmem>> -> memref<1x128xf32, #tpu.memory_space<vmem>>
      %dma_wait3A_353 = tpu.memref_squeeze %dma_wait3A_352 : memref<1x128xf32, #tpu.memory_space<vmem>> -> memref<128xf32, #tpu.memory_space<vmem>>
      %dma_wait3A_354 = arith.constant 0 : i32
      %dma_wait3A_355 = tpu.memref_slice %arg5[%add3A_117, %dma_wait3A_354] : memref<200x128xi32, #tpu.memory_space<vmem>> -> memref<1x128xi32, #tpu.memory_space<vmem>>
      %dma_wait3A_356 = tpu.memref_squeeze %dma_wait3A_355 : memref<1x128xi32, #tpu.memory_space<vmem>> -> memref<128xi32, #tpu.memory_space<vmem>>
      %dma_wait3A_357 = arith.constant 0 : i32
      %dma_wait3A_358 = tpu.memref_slice %arg2[%dma_wait3A_357] : memref<1000000xf32, #tpu.memory_space<hbm>> -> memref<1000000xf32, #tpu.memory_space<hbm>>
      tpu.wait_indirect_dma semaphore(%arg8 : memref<!tpu.dma_semaphore, #tpu.memory_space<semaphore_mem>>) src(%dma_wait3A_358 : memref<1000000xf32, #tpu.memory_space<hbm>>) dst(%dma_wait3A_353 : memref<128xf32, #tpu.memory_space<vmem>>)
      %dma_wait3A_359 = arith.constant 0 : i32
      %dma_wait3A_360 = tpu.memref_slice %arg6[%add3A_131, %dma_wait3A_359] : memref<200x128xf32, #tpu.memory_space<vmem>> -> memref<1x128xf32, #tpu.memory_space<vmem>>
      %dma_wait3A_361 = tpu.memref_squeeze %dma_wait3A_360 : memref<1x128xf32, #tpu.memory_space<vmem>> -> memref<128xf32, #tpu.memory_space<vmem>>
      %dma_wait3A_362 = arith.constant 0 : i32
      %dma_wait3A_363 = tpu.memref_slice %arg5[%add3A_129, %dma_wait3A_362] : memref<200x128xi32, #tpu.memory_space<vmem>> -> memref<1x128xi32, #tpu.memory_space<vmem>>
      %dma_wait3A_364 = tpu.memref_squeeze %dma_wait3A_363 : memref<1x128xi32, #tpu.memory_space<vmem>> -> memref<128xi32, #tpu.memory_space<vmem>>
      %dma_wait3A_365 = arith.constant 0 : i32
      %dma_wait3A_366 = tpu.memref_slice %arg2[%dma_wait3A_365] : memref<1000000xf32, #tpu.memory_space<hbm>> -> memref<1000000xf32, #tpu.memory_space<hbm>>
      tpu.wait_indirect_dma semaphore(%arg8 : memref<!tpu.dma_semaphore, #tpu.memory_space<semaphore_mem>>) src(%dma_wait3A_366 : memref<1000000xf32, #tpu.memory_space<hbm>>) dst(%dma_wait3A_361 : memref<128xf32, #tpu.memory_space<vmem>>)
      %dma_wait3A_367 = arith.constant 0 : i32
      %dma_wait3A_368 = tpu.memref_slice %arg6[%add3A_143, %dma_wait3A_367] : memref<200x128xf32, #tpu.memory_space<vmem>> -> memref<1x128xf32, #tpu.memory_space<vmem>>
      %dma_wait3A_369 = tpu.memref_squeeze %dma_wait3A_368 : memref<1x128xf32, #tpu.memory_space<vmem>> -> memref<128xf32, #tpu.memory_space<vmem>>
      %dma_wait3A_370 = arith.constant 0 : i32
      %dma_wait3A_371 = tpu.memref_slice %arg5[%add3A_141, %dma_wait3A_370] : memref<200x128xi32, #tpu.memory_space<vmem>> -> memref<1x128xi32, #tpu.memory_space<vmem>>
      %dma_wait3A_372 = tpu.memref_squeeze %dma_wait3A_371 : memref<1x128xi32, #tpu.memory_space<vmem>> -> memref<128xi32, #tpu.memory_space<vmem>>
      %dma_wait3A_373 = arith.constant 0 : i32
      %dma_wait3A_374 = tpu.memref_slice %arg2[%dma_wait3A_373] : memref<1000000xf32, #tpu.memory_space<hbm>> -> memref<1000000xf32, #tpu.memory_space<hbm>>
      tpu.wait_indirect_dma semaphore(%arg8 : memref<!tpu.dma_semaphore, #tpu.memory_space<semaphore_mem>>) src(%dma_wait3A_374 : memref<1000000xf32, #tpu.memory_space<hbm>>) dst(%dma_wait3A_369 : memref<128xf32, #tpu.memory_space<vmem>>)
      %dma_wait3A_375 = arith.constant 0 : i32
      %dma_wait3A_376 = tpu.memref_slice %arg6[%add3A_155, %dma_wait3A_375] : memref<200x128xf32, #tpu.memory_space<vmem>> -> memref<1x128xf32, #tpu.memory_space<vmem>>
      %dma_wait3A_377 = tpu.memref_squeeze %dma_wait3A_376 : memref<1x128xf32, #tpu.memory_space<vmem>> -> memref<128xf32, #tpu.memory_space<vmem>>
      %dma_wait3A_378 = arith.constant 0 : i32
      %dma_wait3A_379 = tpu.memref_slice %arg5[%add3A_153, %dma_wait3A_378] : memref<200x128xi32, #tpu.memory_space<vmem>> -> memref<1x128xi32, #tpu.memory_space<vmem>>
      %dma_wait3A_380 = tpu.memref_squeeze %dma_wait3A_379 : memref<1x128xi32, #tpu.memory_space<vmem>> -> memref<128xi32, #tpu.memory_space<vmem>>
      %dma_wait3A_381 = arith.constant 0 : i32
      %dma_wait3A_382 = tpu.memref_slice %arg2[%dma_wait3A_381] : memref<1000000xf32, #tpu.memory_space<hbm>> -> memref<1000000xf32, #tpu.memory_space<hbm>>
      tpu.wait_indirect_dma semaphore(%arg8 : memref<!tpu.dma_semaphore, #tpu.memory_space<semaphore_mem>>) src(%dma_wait3A_382 : memref<1000000xf32, #tpu.memory_space<hbm>>) dst(%dma_wait3A_377 : memref<128xf32, #tpu.memory_space<vmem>>)
      %dma_wait3A_383 = arith.constant 0 : i32
      %dma_wait3A_384 = tpu.memref_slice %arg6[%add3A_167, %dma_wait3A_383] : memref<200x128xf32, #tpu.memory_space<vmem>> -> memref<1x128xf32, #tpu.memory_space<vmem>>
      %dma_wait3A_385 = tpu.memref_squeeze %dma_wait3A_384 : memref<1x128xf32, #tpu.memory_space<vmem>> -> memref<128xf32, #tpu.memory_space<vmem>>
      %dma_wait3A_386 = arith.constant 0 : i32
      %dma_wait3A_387 = tpu.memref_slice %arg5[%add3A_165, %dma_wait3A_386] : memref<200x128xi32, #tpu.memory_space<vmem>> -> memref<1x128xi32, #tpu.memory_space<vmem>>
      %dma_wait3A_388 = tpu.memref_squeeze %dma_wait3A_387 : memref<1x128xi32, #tpu.memory_space<vmem>> -> memref<128xi32, #tpu.memory_space<vmem>>
      %dma_wait3A_389 = arith.constant 0 : i32
      %dma_wait3A_390 = tpu.memref_slice %arg2[%dma_wait3A_389] : memref<1000000xf32, #tpu.memory_space<hbm>> -> memref<1000000xf32, #tpu.memory_space<hbm>>
      tpu.wait_indirect_dma semaphore(%arg8 : memref<!tpu.dma_semaphore, #tpu.memory_space<semaphore_mem>>) src(%dma_wait3A_390 : memref<1000000xf32, #tpu.memory_space<hbm>>) dst(%dma_wait3A_385 : memref<128xf32, #tpu.memory_space<vmem>>)
      %dma_wait3A_391 = arith.constant 0 : i32
      %dma_wait3A_392 = tpu.memref_slice %arg6[%add3A_179, %dma_wait3A_391] : memref<200x128xf32, #tpu.memory_space<vmem>> -> memref<1x128xf32, #tpu.memory_space<vmem>>
      %dma_wait3A_393 = tpu.memref_squeeze %dma_wait3A_392 : memref<1x128xf32, #tpu.memory_space<vmem>> -> memref<128xf32, #tpu.memory_space<vmem>>
      %dma_wait3A_394 = arith.constant 0 : i32
      %dma_wait3A_395 = tpu.memref_slice %arg5[%add3A_177, %dma_wait3A_394] : memref<200x128xi32, #tpu.memory_space<vmem>> -> memref<1x128xi32, #tpu.memory_space<vmem>>
      %dma_wait3A_396 = tpu.memref_squeeze %dma_wait3A_395 : memref<1x128xi32, #tpu.memory_space<vmem>> -> memref<128xi32, #tpu.memory_space<vmem>>
      %dma_wait3A_397 = arith.constant 0 : i32
      %dma_wait3A_398 = tpu.memref_slice %arg2[%dma_wait3A_397] : memref<1000000xf32, #tpu.memory_space<hbm>> -> memref<1000000xf32, #tpu.memory_space<hbm>>
      tpu.wait_indirect_dma semaphore(%arg8 : memref<!tpu.dma_semaphore, #tpu.memory_space<semaphore_mem>>) src(%dma_wait3A_398 : memref<1000000xf32, #tpu.memory_space<hbm>>) dst(%dma_wait3A_393 : memref<128xf32, #tpu.memory_space<vmem>>)
      %dma_wait3A_399 = arith.constant 0 : i32
      %dma_wait3A_400 = tpu.memref_slice %arg6[%add3A_191, %dma_wait3A_399] : memref<200x128xf32, #tpu.memory_space<vmem>> -> memref<1x128xf32, #tpu.memory_space<vmem>>
      %dma_wait3A_401 = tpu.memref_squeeze %dma_wait3A_400 : memref<1x128xf32, #tpu.memory_space<vmem>> -> memref<128xf32, #tpu.memory_space<vmem>>
      %dma_wait3A_402 = arith.constant 0 : i32
      %dma_wait3A_403 = tpu.memref_slice %arg5[%add3A_189, %dma_wait3A_402] : memref<200x128xi32, #tpu.memory_space<vmem>> -> memref<1x128xi32, #tpu.memory_space<vmem>>
      %dma_wait3A_404 = tpu.memref_squeeze %dma_wait3A_403 : memref<1x128xi32, #tpu.memory_space<vmem>> -> memref<128xi32, #tpu.memory_space<vmem>>
      %dma_wait3A_405 = arith.constant 0 : i32
      %dma_wait3A_406 = tpu.memref_slice %arg2[%dma_wait3A_405] : memref<1000000xf32, #tpu.memory_space<hbm>> -> memref<1000000xf32, #tpu.memory_space<hbm>>
      tpu.wait_indirect_dma semaphore(%arg8 : memref<!tpu.dma_semaphore, #tpu.memory_space<semaphore_mem>>) src(%dma_wait3A_406 : memref<1000000xf32, #tpu.memory_space<hbm>>) dst(%dma_wait3A_401 : memref<128xf32, #tpu.memory_space<vmem>>)
      %dma_wait3A_407 = arith.constant 0 : i32
      %dma_wait3A_408 = tpu.memref_slice %arg6[%add3A_203, %dma_wait3A_407] : memref<200x128xf32, #tpu.memory_space<vmem>> -> memref<1x128xf32, #tpu.memory_space<vmem>>
      %dma_wait3A_409 = tpu.memref_squeeze %dma_wait3A_408 : memref<1x128xf32, #tpu.memory_space<vmem>> -> memref<128xf32, #tpu.memory_space<vmem>>
      %dma_wait3A_410 = arith.constant 0 : i32
      %dma_wait3A_411 = tpu.memref_slice %arg5[%add3A_201, %dma_wait3A_410] : memref<200x128xi32, #tpu.memory_space<vmem>> -> memref<1x128xi32, #tpu.memory_space<vmem>>
      %dma_wait3A_412 = tpu.memref_squeeze %dma_wait3A_411 : memref<1x128xi32, #tpu.memory_space<vmem>> -> memref<128xi32, #tpu.memory_space<vmem>>
      %dma_wait3A_413 = arith.constant 0 : i32
      %dma_wait3A_414 = tpu.memref_slice %arg2[%dma_wait3A_413] : memref<1000000xf32, #tpu.memory_space<hbm>> -> memref<1000000xf32, #tpu.memory_space<hbm>>
      tpu.wait_indirect_dma semaphore(%arg8 : memref<!tpu.dma_semaphore, #tpu.memory_space<semaphore_mem>>) src(%dma_wait3A_414 : memref<1000000xf32, #tpu.memory_space<hbm>>) dst(%dma_wait3A_409 : memref<128xf32, #tpu.memory_space<vmem>>)
      %dma_wait3A_415 = arith.constant 0 : i32
      %dma_wait3A_416 = tpu.memref_slice %arg6[%add3A_215, %dma_wait3A_415] : memref<200x128xf32, #tpu.memory_space<vmem>> -> memref<1x128xf32, #tpu.memory_space<vmem>>
      %dma_wait3A_417 = tpu.memref_squeeze %dma_wait3A_416 : memref<1x128xf32, #tpu.memory_space<vmem>> -> memref<128xf32, #tpu.memory_space<vmem>>
      %dma_wait3A_418 = arith.constant 0 : i32
      %dma_wait3A_419 = tpu.memref_slice %arg5[%add3A_213, %dma_wait3A_418] : memref<200x128xi32, #tpu.memory_space<vmem>> -> memref<1x128xi32, #tpu.memory_space<vmem>>
      %dma_wait3A_420 = tpu.memref_squeeze %dma_wait3A_419 : memref<1x128xi32, #tpu.memory_space<vmem>> -> memref<128xi32, #tpu.memory_space<vmem>>
      %dma_wait3A_421 = arith.constant 0 : i32
      %dma_wait3A_422 = tpu.memref_slice %arg2[%dma_wait3A_421] : memref<1000000xf32, #tpu.memory_space<hbm>> -> memref<1000000xf32, #tpu.memory_space<hbm>>
      tpu.wait_indirect_dma semaphore(%arg8 : memref<!tpu.dma_semaphore, #tpu.memory_space<semaphore_mem>>) src(%dma_wait3A_422 : memref<1000000xf32, #tpu.memory_space<hbm>>) dst(%dma_wait3A_417 : memref<128xf32, #tpu.memory_space<vmem>>)
      %dma_wait3A_423 = arith.constant 0 : i32
      %dma_wait3A_424 = tpu.memref_slice %arg6[%add3A_227, %dma_wait3A_423] : memref<200x128xf32, #tpu.memory_space<vmem>> -> memref<1x128xf32, #tpu.memory_space<vmem>>
      %dma_wait3A_425 = tpu.memref_squeeze %dma_wait3A_424 : memref<1x128xf32, #tpu.memory_space<vmem>> -> memref<128xf32, #tpu.memory_space<vmem>>
      %dma_wait3A_426 = arith.constant 0 : i32
      %dma_wait3A_427 = tpu.memref_slice %arg5[%add3A_225, %dma_wait3A_426] : memref<200x128xi32, #tpu.memory_space<vmem>> -> memref<1x128xi32, #tpu.memory_space<vmem>>
      %dma_wait3A_428 = tpu.memref_squeeze %dma_wait3A_427 : memref<1x128xi32, #tpu.memory_space<vmem>> -> memref<128xi32, #tpu.memory_space<vmem>>
      %dma_wait3A_429 = arith.constant 0 : i32
      %dma_wait3A_430 = tpu.memref_slice %arg2[%dma_wait3A_429] : memref<1000000xf32, #tpu.memory_space<hbm>> -> memref<1000000xf32, #tpu.memory_space<hbm>>
      tpu.wait_indirect_dma semaphore(%arg8 : memref<!tpu.dma_semaphore, #tpu.memory_space<semaphore_mem>>) src(%dma_wait3A_430 : memref<1000000xf32, #tpu.memory_space<hbm>>) dst(%dma_wait3A_425 : memref<128xf32, #tpu.memory_space<vmem>>)
      %dma_wait3A_431 = arith.constant 0 : i32
      %dma_wait3A_432 = tpu.memref_slice %arg6[%add3A_239, %dma_wait3A_431] : memref<200x128xf32, #tpu.memory_space<vmem>> -> memref<1x128xf32, #tpu.memory_space<vmem>>
      %dma_wait3A_433 = tpu.memref_squeeze %dma_wait3A_432 : memref<1x128xf32, #tpu.memory_space<vmem>> -> memref<128xf32, #tpu.memory_space<vmem>>
      %dma_wait3A_434 = arith.constant 0 : i32
      %dma_wait3A_435 = tpu.memref_slice %arg5[%add3A_237, %dma_wait3A_434] : memref<200x128xi32, #tpu.memory_space<vmem>> -> memref<1x128xi32, #tpu.memory_space<vmem>>
      %dma_wait3A_436 = tpu.memref_squeeze %dma_wait3A_435 : memref<1x128xi32, #tpu.memory_space<vmem>> -> memref<128xi32, #tpu.memory_space<vmem>>
      %dma_wait3A_437 = arith.constant 0 : i32
      %dma_wait3A_438 = tpu.memref_slice %arg2[%dma_wait3A_437] : memref<1000000xf32, #tpu.memory_space<hbm>> -> memref<1000000xf32, #tpu.memory_space<hbm>>
      tpu.wait_indirect_dma semaphore(%arg8 : memref<!tpu.dma_semaphore, #tpu.memory_space<semaphore_mem>>) src(%dma_wait3A_438 : memref<1000000xf32, #tpu.memory_space<hbm>>) dst(%dma_wait3A_433 : memref<128xf32, #tpu.memory_space<vmem>>)
      %dma_wait3A_439 = arith.constant 0 : i32
      %dma_wait3A_440 = tpu.memref_slice %arg6[%add3A_251, %dma_wait3A_439] : memref<200x128xf32, #tpu.memory_space<vmem>> -> memref<1x128xf32, #tpu.memory_space<vmem>>
      %dma_wait3A_441 = tpu.memref_squeeze %dma_wait3A_440 : memref<1x128xf32, #tpu.memory_space<vmem>> -> memref<128xf32, #tpu.memory_space<vmem>>
      %dma_wait3A_442 = arith.constant 0 : i32
      %dma_wait3A_443 = tpu.memref_slice %arg5[%add3A_249, %dma_wait3A_442] : memref<200x128xi32, #tpu.memory_space<vmem>> -> memref<1x128xi32, #tpu.memory_space<vmem>>
      %dma_wait3A_444 = tpu.memref_squeeze %dma_wait3A_443 : memref<1x128xi32, #tpu.memory_space<vmem>> -> memref<128xi32, #tpu.memory_space<vmem>>
      %dma_wait3A_445 = arith.constant 0 : i32
      %dma_wait3A_446 = tpu.memref_slice %arg2[%dma_wait3A_445] : memref<1000000xf32, #tpu.memory_space<hbm>> -> memref<1000000xf32, #tpu.memory_space<hbm>>
      tpu.wait_indirect_dma semaphore(%arg8 : memref<!tpu.dma_semaphore, #tpu.memory_space<semaphore_mem>>) src(%dma_wait3A_446 : memref<1000000xf32, #tpu.memory_space<hbm>>) dst(%dma_wait3A_441 : memref<128xf32, #tpu.memory_space<vmem>>)
      %dma_wait3A_447 = arith.constant 0 : i32
      %dma_wait3A_448 = tpu.memref_slice %arg6[%add3A_263, %dma_wait3A_447] : memref<200x128xf32, #tpu.memory_space<vmem>> -> memref<1x128xf32, #tpu.memory_space<vmem>>
      %dma_wait3A_449 = tpu.memref_squeeze %dma_wait3A_448 : memref<1x128xf32, #tpu.memory_space<vmem>> -> memref<128xf32, #tpu.memory_space<vmem>>
      %dma_wait3A_450 = arith.constant 0 : i32
      %dma_wait3A_451 = tpu.memref_slice %arg5[%add3A_261, %dma_wait3A_450] : memref<200x128xi32, #tpu.memory_space<vmem>> -> memref<1x128xi32, #tpu.memory_space<vmem>>
      %dma_wait3A_452 = tpu.memref_squeeze %dma_wait3A_451 : memref<1x128xi32, #tpu.memory_space<vmem>> -> memref<128xi32, #tpu.memory_space<vmem>>
      %dma_wait3A_453 = arith.constant 0 : i32
      %dma_wait3A_454 = tpu.memref_slice %arg2[%dma_wait3A_453] : memref<1000000xf32, #tpu.memory_space<hbm>> -> memref<1000000xf32, #tpu.memory_space<hbm>>
      tpu.wait_indirect_dma semaphore(%arg8 : memref<!tpu.dma_semaphore, #tpu.memory_space<semaphore_mem>>) src(%dma_wait3A_454 : memref<1000000xf32, #tpu.memory_space<hbm>>) dst(%dma_wait3A_449 : memref<128xf32, #tpu.memory_space<vmem>>)
      %dma_wait3A_455 = arith.constant 0 : i32
      %dma_wait3A_456 = tpu.memref_slice %arg6[%add3A_275, %dma_wait3A_455] : memref<200x128xf32, #tpu.memory_space<vmem>> -> memref<1x128xf32, #tpu.memory_space<vmem>>
      %dma_wait3A_457 = tpu.memref_squeeze %dma_wait3A_456 : memref<1x128xf32, #tpu.memory_space<vmem>> -> memref<128xf32, #tpu.memory_space<vmem>>
      %dma_wait3A_458 = arith.constant 0 : i32
      %dma_wait3A_459 = tpu.memref_slice %arg5[%add3A_273, %dma_wait3A_458] : memref<200x128xi32, #tpu.memory_space<vmem>> -> memref<1x128xi32, #tpu.memory_space<vmem>>
      %dma_wait3A_460 = tpu.memref_squeeze %dma_wait3A_459 : memref<1x128xi32, #tpu.memory_space<vmem>> -> memref<128xi32, #tpu.memory_space<vmem>>
      %dma_wait3A_461 = arith.constant 0 : i32
      %dma_wait3A_462 = tpu.memref_slice %arg2[%dma_wait3A_461] : memref<1000000xf32, #tpu.memory_space<hbm>> -> memref<1000000xf32, #tpu.memory_space<hbm>>
      tpu.wait_indirect_dma semaphore(%arg8 : memref<!tpu.dma_semaphore, #tpu.memory_space<semaphore_mem>>) src(%dma_wait3A_462 : memref<1000000xf32, #tpu.memory_space<hbm>>) dst(%dma_wait3A_457 : memref<128xf32, #tpu.memory_space<vmem>>)
      %dma_wait3A_463 = arith.constant 0 : i32
      %dma_wait3A_464 = tpu.memref_slice %arg6[%add3A_287, %dma_wait3A_463] : memref<200x128xf32, #tpu.memory_space<vmem>> -> memref<1x128xf32, #tpu.memory_space<vmem>>
      %dma_wait3A_465 = tpu.memref_squeeze %dma_wait3A_464 : memref<1x128xf32, #tpu.memory_space<vmem>> -> memref<128xf32, #tpu.memory_space<vmem>>
      %dma_wait3A_466 = arith.constant 0 : i32
      %dma_wait3A_467 = tpu.memref_slice %arg5[%add3A_285, %dma_wait3A_466] : memref<200x128xi32, #tpu.memory_space<vmem>> -> memref<1x128xi32, #tpu.memory_space<vmem>>
      %dma_wait3A_468 = tpu.memref_squeeze %dma_wait3A_467 : memref<1x128xi32, #tpu.memory_space<vmem>> -> memref<128xi32, #tpu.memory_space<vmem>>
      %dma_wait3A_469 = arith.constant 0 : i32
      %dma_wait3A_470 = tpu.memref_slice %arg2[%dma_wait3A_469] : memref<1000000xf32, #tpu.memory_space<hbm>> -> memref<1000000xf32, #tpu.memory_space<hbm>>
      tpu.wait_indirect_dma semaphore(%arg8 : memref<!tpu.dma_semaphore, #tpu.memory_space<semaphore_mem>>) src(%dma_wait3A_470 : memref<1000000xf32, #tpu.memory_space<hbm>>) dst(%dma_wait3A_465 : memref<128xf32, #tpu.memory_space<vmem>>)
      %dma_wait3A_471 = arith.constant 0 : i32
      %dma_wait3A_472 = tpu.memref_slice %arg6[%add3A_299, %dma_wait3A_471] : memref<200x128xf32, #tpu.memory_space<vmem>> -> memref<1x128xf32, #tpu.memory_space<vmem>>
      %dma_wait3A_473 = tpu.memref_squeeze %dma_wait3A_472 : memref<1x128xf32, #tpu.memory_space<vmem>> -> memref<128xf32, #tpu.memory_space<vmem>>
      %dma_wait3A_474 = arith.constant 0 : i32
      %dma_wait3A_475 = tpu.memref_slice %arg5[%add3A_297, %dma_wait3A_474] : memref<200x128xi32, #tpu.memory_space<vmem>> -> memref<1x128xi32, #tpu.memory_space<vmem>>
      %dma_wait3A_476 = tpu.memref_squeeze %dma_wait3A_475 : memref<1x128xi32, #tpu.memory_space<vmem>> -> memref<128xi32, #tpu.memory_space<vmem>>
      %dma_wait3A_477 = arith.constant 0 : i32
      %dma_wait3A_478 = tpu.memref_slice %arg2[%dma_wait3A_477] : memref<1000000xf32, #tpu.memory_space<hbm>> -> memref<1000000xf32, #tpu.memory_space<hbm>>
      tpu.wait_indirect_dma semaphore(%arg8 : memref<!tpu.dma_semaphore, #tpu.memory_space<semaphore_mem>>) src(%dma_wait3A_478 : memref<1000000xf32, #tpu.memory_space<hbm>>) dst(%dma_wait3A_473 : memref<128xf32, #tpu.memory_space<vmem>>)
      %dma_wait3A_479 = arith.constant 0 : i32
      %dma_wait3A_480 = tpu.memref_slice %arg6[%add3A_311, %dma_wait3A_479] : memref<200x128xf32, #tpu.memory_space<vmem>> -> memref<1x128xf32, #tpu.memory_space<vmem>>
      %dma_wait3A_481 = tpu.memref_squeeze %dma_wait3A_480 : memref<1x128xf32, #tpu.memory_space<vmem>> -> memref<128xf32, #tpu.memory_space<vmem>>
      %dma_wait3A_482 = arith.constant 0 : i32
      %dma_wait3A_483 = tpu.memref_slice %arg5[%add3A_309, %dma_wait3A_482] : memref<200x128xi32, #tpu.memory_space<vmem>> -> memref<1x128xi32, #tpu.memory_space<vmem>>
      %dma_wait3A_484 = tpu.memref_squeeze %dma_wait3A_483 : memref<1x128xi32, #tpu.memory_space<vmem>> -> memref<128xi32, #tpu.memory_space<vmem>>
      %dma_wait3A_485 = arith.constant 0 : i32
      %dma_wait3A_486 = tpu.memref_slice %arg2[%dma_wait3A_485] : memref<1000000xf32, #tpu.memory_space<hbm>> -> memref<1000000xf32, #tpu.memory_space<hbm>>
      tpu.wait_indirect_dma semaphore(%arg8 : memref<!tpu.dma_semaphore, #tpu.memory_space<semaphore_mem>>) src(%dma_wait3A_486 : memref<1000000xf32, #tpu.memory_space<hbm>>) dst(%dma_wait3A_481 : memref<128xf32, #tpu.memory_space<vmem>>)
      %dma_wait3A_487 = arith.constant 0 : i32
      %dma_wait3A_488 = tpu.memref_slice %arg6[%add3A_323, %dma_wait3A_487] : memref<200x128xf32, #tpu.memory_space<vmem>> -> memref<1x128xf32, #tpu.memory_space<vmem>>
      %dma_wait3A_489 = tpu.memref_squeeze %dma_wait3A_488 : memref<1x128xf32, #tpu.memory_space<vmem>> -> memref<128xf32, #tpu.memory_space<vmem>>
      %dma_wait3A_490 = arith.constant 0 : i32
      %dma_wait3A_491 = tpu.memref_slice %arg5[%add3A_321, %dma_wait3A_490] : memref<200x128xi32, #tpu.memory_space<vmem>> -> memref<1x128xi32, #tpu.memory_space<vmem>>
      %dma_wait3A_492 = tpu.memref_squeeze %dma_wait3A_491 : memref<1x128xi32, #tpu.memory_space<vmem>> -> memref<128xi32, #tpu.memory_space<vmem>>
      %dma_wait3A_493 = arith.constant 0 : i32
      %dma_wait3A_494 = tpu.memref_slice %arg2[%dma_wait3A_493] : memref<1000000xf32, #tpu.memory_space<hbm>> -> memref<1000000xf32, #tpu.memory_space<hbm>>
      tpu.wait_indirect_dma semaphore(%arg8 : memref<!tpu.dma_semaphore, #tpu.memory_space<semaphore_mem>>) src(%dma_wait3A_494 : memref<1000000xf32, #tpu.memory_space<hbm>>) dst(%dma_wait3A_489 : memref<128xf32, #tpu.memory_space<vmem>>)
      %dma_wait3A_495 = arith.constant 0 : i32
      %dma_wait3A_496 = tpu.memref_slice %arg6[%add3A_335, %dma_wait3A_495] : memref<200x128xf32, #tpu.memory_space<vmem>> -> memref<1x128xf32, #tpu.memory_space<vmem>>
      %dma_wait3A_497 = tpu.memref_squeeze %dma_wait3A_496 : memref<1x128xf32, #tpu.memory_space<vmem>> -> memref<128xf32, #tpu.memory_space<vmem>>
      %dma_wait3A_498 = arith.constant 0 : i32
      %dma_wait3A_499 = tpu.memref_slice %arg5[%add3A_333, %dma_wait3A_498] : memref<200x128xi32, #tpu.memory_space<vmem>> -> memref<1x128xi32, #tpu.memory_space<vmem>>
      %dma_wait3A_500 = tpu.memref_squeeze %dma_wait3A_499 : memref<1x128xi32, #tpu.memory_space<vmem>> -> memref<128xi32, #tpu.memory_space<vmem>>
      %dma_wait3A_501 = arith.constant 0 : i32
      %dma_wait3A_502 = tpu.memref_slice %arg2[%dma_wait3A_501] : memref<1000000xf32, #tpu.memory_space<hbm>> -> memref<1000000xf32, #tpu.memory_space<hbm>>
      tpu.wait_indirect_dma semaphore(%arg8 : memref<!tpu.dma_semaphore, #tpu.memory_space<semaphore_mem>>) src(%dma_wait3A_502 : memref<1000000xf32, #tpu.memory_space<hbm>>) dst(%dma_wait3A_497 : memref<128xf32, #tpu.memory_space<vmem>>)
    }
    %scan3A_7 = arith.constant 10 : i32
    %broadcast_in_dim3A = arith.constant 0.000000e+00 : f32
    %broadcast_in_dim3A_8 = vector.broadcast %broadcast_in_dim3A : f32 to vector<16xf32>
    %scan3A_9 = arith.constant 0 : i32
    %scan3A_10 = arith.constant 200 : i32
    %scan3A_11 = arith.addi %scan3A_9, %scan3A_10 : i32
    %scan3A_12 = arith.constant 1 : i32
    %scan3A_13 = scf.for %scan3A_102 = %scan3A_9 to %scan3A_11 step %scan3A_12 iter_args(%scan3A_103 = %broadcast_in_dim3A_8) -> (vector<16xf32>)  : i32 {
      %get3A = arith.index_cast %scan3A_102 : i32 to index
      %get3A_104 = arith.constant 0 : index
      %get3A_105 = tpu.vector_load %arg6[%get3A, %get3A_104] {strides = array<i32>} : memref<200x128xf32, #tpu.memory_space<vmem>>, vector<1x16xf32>,
      %get3A_106 = vector.shape_cast %get3A_105 : vector<1x16xf32> to vector<16xf32>
      %add3A_107 = arith.addf %scan3A_103, %get3A_106 : vector<16xf32>
      scf.yield %add3A_107 : vector<16xf32>
    }
    %scan3A_14 = arith.constant 200 : i32
    %swap3A = arith.constant 0 : index
    %swap3A_15 = tpu.vector_load %arg7[%swap3A] {strides = array<i32>} : memref<128xf32, #tpu.memory_space<vmem>>, vector<16xf32>,
    %swap3A_16 = vector.shape_cast %swap3A_15 : vector<16xf32> to vector<16xf32>
    %swap3A_17 = vector.shape_cast %scan3A_13 : vector<16xf32> to vector<16xf32>
    tpu.vector_store %arg7[%swap3A], %swap3A_17 {strides = array<i32>} : memref<128xf32, #tpu.memory_space<vmem>>, vector<16xf32>,
    %broadcast_in_dim3A_18 = arith.constant 0.000000e+00 : f32
    %broadcast_in_dim3A_19 = vector.broadcast %broadcast_in_dim3A_18 : f32 to vector<16xf32>
    %scan3A_20 = arith.constant 0 : i32
    %scan3A_21 = arith.constant 200 : i32
    %scan3A_22 = arith.addi %scan3A_20, %scan3A_21 : i32
    %scan3A_23 = arith.constant 1 : i32
    %scan3A_24 = scf.for %scan3A_102 = %scan3A_20 to %scan3A_22 step %scan3A_23 iter_args(%scan3A_103 = %broadcast_in_dim3A_19) -> (vector<16xf32>)  : i32 {
      %get3A = arith.index_cast %scan3A_102 : i32 to index
      %get3A_104 = arith.constant 16 : index
      %get3A_105 = tpu.vector_load %arg6[%get3A, %get3A_104] {strides = array<i32>} : memref<200x128xf32, #tpu.memory_space<vmem>>, vector<1x16xf32>,
      %get3A_106 = vector.shape_cast %get3A_105 : vector<1x16xf32> to vector<16xf32>
      %add3A_107 = arith.addf %scan3A_103, %get3A_106 : vector<16xf32>
      scf.yield %add3A_107 : vector<16xf32>
    }
    %scan3A_25 = arith.constant 200 : i32
    %swap3A_26 = arith.constant 16 : index
    %swap3A_27 = tpu.vector_load %arg7[%swap3A_26] {strides = array<i32>} : memref<128xf32, #tpu.memory_space<vmem>>, vector<16xf32>,
    %swap3A_28 = vector.shape_cast %swap3A_27 : vector<16xf32> to vector<16xf32>
    %swap3A_29 = vector.shape_cast %scan3A_24 : vector<16xf32> to vector<16xf32>
    tpu.vector_store %arg7[%swap3A_26], %swap3A_29 {strides = array<i32>} : memref<128xf32, #tpu.memory_space<vmem>>, vector<16xf32>,
    %broadcast_in_dim3A_30 = arith.constant 0.000000e+00 : f32
    %broadcast_in_dim3A_31 = vector.broadcast %broadcast_in_dim3A_30 : f32 to vector<16xf32>
    %scan3A_32 = arith.constant 0 : i32
    %scan3A_33 = arith.constant 200 : i32
    %scan3A_34 = arith.addi %scan3A_32, %scan3A_33 : i32
    %scan3A_35 = arith.constant 1 : i32
    %scan3A_36 = scf.for %scan3A_102 = %scan3A_32 to %scan3A_34 step %scan3A_35 iter_args(%scan3A_103 = %broadcast_in_dim3A_31) -> (vector<16xf32>)  : i32 {
      %get3A = arith.index_cast %scan3A_102 : i32 to index
      %get3A_104 = arith.constant 32 : index
      %get3A_105 = tpu.vector_load %arg6[%get3A, %get3A_104] {strides = array<i32>} : memref<200x128xf32, #tpu.memory_space<vmem>>, vector<1x16xf32>,
      %get3A_106 = vector.shape_cast %get3A_105 : vector<1x16xf32> to vector<16xf32>
      %add3A_107 = arith.addf %scan3A_103, %get3A_106 : vector<16xf32>
      scf.yield %add3A_107 : vector<16xf32>
    }
    %scan3A_37 = arith.constant 200 : i32
    %swap3A_38 = arith.constant 32 : index
    %swap3A_39 = tpu.vector_load %arg7[%swap3A_38] {strides = array<i32>} : memref<128xf32, #tpu.memory_space<vmem>>, vector<16xf32>,
    %swap3A_40 = vector.shape_cast %swap3A_39 : vector<16xf32> to vector<16xf32>
    %swap3A_41 = vector.shape_cast %scan3A_36 : vector<16xf32> to vector<16xf32>
    tpu.vector_store %arg7[%swap3A_38], %swap3A_41 {strides = array<i32>} : memref<128xf32, #tpu.memory_space<vmem>>, vector<16xf32>,
    %broadcast_in_dim3A_42 = arith.constant 0.000000e+00 : f32
    %broadcast_in_dim3A_43 = vector.broadcast %broadcast_in_dim3A_42 : f32 to vector<16xf32>
    %scan3A_44 = arith.constant 0 : i32
    %scan3A_45 = arith.constant 200 : i32
    %scan3A_46 = arith.addi %scan3A_44, %scan3A_45 : i32
    %scan3A_47 = arith.constant 1 : i32
    %scan3A_48 = scf.for %scan3A_102 = %scan3A_44 to %scan3A_46 step %scan3A_47 iter_args(%scan3A_103 = %broadcast_in_dim3A_43) -> (vector<16xf32>)  : i32 {
      %get3A = arith.index_cast %scan3A_102 : i32 to index
      %get3A_104 = arith.constant 48 : index
      %get3A_105 = tpu.vector_load %arg6[%get3A, %get3A_104] {strides = array<i32>} : memref<200x128xf32, #tpu.memory_space<vmem>>, vector<1x16xf32>,
      %get3A_106 = vector.shape_cast %get3A_105 : vector<1x16xf32> to vector<16xf32>
      %add3A_107 = arith.addf %scan3A_103, %get3A_106 : vector<16xf32>
      scf.yield %add3A_107 : vector<16xf32>
    }
    %scan3A_49 = arith.constant 200 : i32
    %swap3A_50 = arith.constant 48 : index
    %swap3A_51 = tpu.vector_load %arg7[%swap3A_50] {strides = array<i32>} : memref<128xf32, #tpu.memory_space<vmem>>, vector<16xf32>,
    %swap3A_52 = vector.shape_cast %swap3A_51 : vector<16xf32> to vector<16xf32>
    %swap3A_53 = vector.shape_cast %scan3A_48 : vector<16xf32> to vector<16xf32>
    tpu.vector_store %arg7[%swap3A_50], %swap3A_53 {strides = array<i32>} : memref<128xf32, #tpu.memory_space<vmem>>, vector<16xf32>,
    %broadcast_in_dim3A_54 = arith.constant 0.000000e+00 : f32
    %broadcast_in_dim3A_55 = vector.broadcast %broadcast_in_dim3A_54 : f32 to vector<16xf32>
    %scan3A_56 = arith.constant 0 : i32
    %scan3A_57 = arith.constant 200 : i32
    %scan3A_58 = arith.addi %scan3A_56, %scan3A_57 : i32
    %scan3A_59 = arith.constant 1 : i32
    %scan3A_60 = scf.for %scan3A_102 = %scan3A_56 to %scan3A_58 step %scan3A_59 iter_args(%scan3A_103 = %broadcast_in_dim3A_55) -> (vector<16xf32>)  : i32 {
      %get3A = arith.index_cast %scan3A_102 : i32 to index
      %get3A_104 = arith.constant 64 : index
      %get3A_105 = tpu.vector_load %arg6[%get3A, %get3A_104] {strides = array<i32>} : memref<200x128xf32, #tpu.memory_space<vmem>>, vector<1x16xf32>,
      %get3A_106 = vector.shape_cast %get3A_105 : vector<1x16xf32> to vector<16xf32>
      %add3A_107 = arith.addf %scan3A_103, %get3A_106 : vector<16xf32>
      scf.yield %add3A_107 : vector<16xf32>
    }
    %scan3A_61 = arith.constant 200 : i32
    %swap3A_62 = arith.constant 64 : index
    %swap3A_63 = tpu.vector_load %arg7[%swap3A_62] {strides = array<i32>} : memref<128xf32, #tpu.memory_space<vmem>>, vector<16xf32>,
    %swap3A_64 = vector.shape_cast %swap3A_63 : vector<16xf32> to vector<16xf32>
    %swap3A_65 = vector.shape_cast %scan3A_60 : vector<16xf32> to vector<16xf32>
    tpu.vector_store %arg7[%swap3A_62], %swap3A_65 {strides = array<i32>} : memref<128xf32, #tpu.memory_space<vmem>>, vector<16xf32>,
    %broadcast_in_dim3A_66 = arith.constant 0.000000e+00 : f32
    %broadcast_in_dim3A_67 = vector.broadcast %broadcast_in_dim3A_66 : f32 to vector<16xf32>
    %scan3A_68 = arith.constant 0 : i32
    %scan3A_69 = arith.constant 200 : i32
    %scan3A_70 = arith.addi %scan3A_68, %scan3A_69 : i32
    %scan3A_71 = arith.constant 1 : i32
    %scan3A_72 = scf.for %scan3A_102 = %scan3A_68 to %scan3A_70 step %scan3A_71 iter_args(%scan3A_103 = %broadcast_in_dim3A_67) -> (vector<16xf32>)  : i32 {
      %get3A = arith.index_cast %scan3A_102 : i32 to index
      %get3A_104 = arith.constant 80 : index
      %get3A_105 = tpu.vector_load %arg6[%get3A, %get3A_104] {strides = array<i32>} : memref<200x128xf32, #tpu.memory_space<vmem>>, vector<1x16xf32>,
      %get3A_106 = vector.shape_cast %get3A_105 : vector<1x16xf32> to vector<16xf32>
      %add3A_107 = arith.addf %scan3A_103, %get3A_106 : vector<16xf32>
      scf.yield %add3A_107 : vector<16xf32>
    }
    %scan3A_73 = arith.constant 200 : i32
    %swap3A_74 = arith.constant 80 : index
    %swap3A_75 = tpu.vector_load %arg7[%swap3A_74] {strides = array<i32>} : memref<128xf32, #tpu.memory_space<vmem>>, vector<16xf32>,
    %swap3A_76 = vector.shape_cast %swap3A_75 : vector<16xf32> to vector<16xf32>
    %swap3A_77 = vector.shape_cast %scan3A_72 : vector<16xf32> to vector<16xf32>
    tpu.vector_store %arg7[%swap3A_74], %swap3A_77 {strides = array<i32>} : memref<128xf32, #tpu.memory_space<vmem>>, vector<16xf32>,
    %broadcast_in_dim3A_78 = arith.constant 0.000000e+00 : f32
    %broadcast_in_dim3A_79 = vector.broadcast %broadcast_in_dim3A_78 : f32 to vector<16xf32>
    %scan3A_80 = arith.constant 0 : i32
    %scan3A_81 = arith.constant 200 : i32
    %scan3A_82 = arith.addi %scan3A_80, %scan3A_81 : i32
    %scan3A_83 = arith.constant 1 : i32
    %scan3A_84 = scf.for %scan3A_102 = %scan3A_80 to %scan3A_82 step %scan3A_83 iter_args(%scan3A_103 = %broadcast_in_dim3A_79) -> (vector<16xf32>)  : i32 {
      %get3A = arith.index_cast %scan3A_102 : i32 to index
      %get3A_104 = arith.constant 96 : index
      %get3A_105 = tpu.vector_load %arg6[%get3A, %get3A_104] {strides = array<i32>} : memref<200x128xf32, #tpu.memory_space<vmem>>, vector<1x16xf32>,
      %get3A_106 = vector.shape_cast %get3A_105 : vector<1x16xf32> to vector<16xf32>
      %add3A_107 = arith.addf %scan3A_103, %get3A_106 : vector<16xf32>
      scf.yield %add3A_107 : vector<16xf32>
    }
    %scan3A_85 = arith.constant 200 : i32
    %swap3A_86 = arith.constant 96 : index
    %swap3A_87 = tpu.vector_load %arg7[%swap3A_86] {strides = array<i32>} : memref<128xf32, #tpu.memory_space<vmem>>, vector<16xf32>,
    %swap3A_88 = vector.shape_cast %swap3A_87 : vector<16xf32> to vector<16xf32>
    %swap3A_89 = vector.shape_cast %scan3A_84 : vector<16xf32> to vector<16xf32>
    tpu.vector_store %arg7[%swap3A_86], %swap3A_89 {strides = array<i32>} : memref<128xf32, #tpu.memory_space<vmem>>, vector<16xf32>,
    %broadcast_in_dim3A_90 = arith.constant 0.000000e+00 : f32
    %broadcast_in_dim3A_91 = vector.broadcast %broadcast_in_dim3A_90 : f32 to vector<16xf32>
    %scan3A_92 = arith.constant 0 : i32
    %scan3A_93 = arith.constant 200 : i32
    %scan3A_94 = arith.addi %scan3A_92, %scan3A_93 : i32
    %scan3A_95 = arith.constant 1 : i32
    %scan3A_96 = scf.for %scan3A_102 = %scan3A_92 to %scan3A_94 step %scan3A_95 iter_args(%scan3A_103 = %broadcast_in_dim3A_91) -> (vector<16xf32>)  : i32 {
      %get3A = arith.index_cast %scan3A_102 : i32 to index
      %get3A_104 = arith.constant 112 : index
      %get3A_105 = tpu.vector_load %arg6[%get3A, %get3A_104] {strides = array<i32>} : memref<200x128xf32, #tpu.memory_space<vmem>>, vector<1x16xf32>,
      %get3A_106 = vector.shape_cast %get3A_105 : vector<1x16xf32> to vector<16xf32>
      %add3A_107 = arith.addf %scan3A_103, %get3A_106 : vector<16xf32>
      scf.yield %add3A_107 : vector<16xf32>
    }
    %scan3A_97 = arith.constant 200 : i32
    %swap3A_98 = arith.constant 112 : index
    %swap3A_99 = tpu.vector_load %arg7[%swap3A_98] {strides = array<i32>} : memref<128xf32, #tpu.memory_space<vmem>>, vector<16xf32>,
    %swap3A_100 = vector.shape_cast %swap3A_99 : vector<16xf32> to vector<16xf32>
    %swap3A_101 = vector.shape_cast %scan3A_96 : vector<16xf32> to vector<16xf32>
    tpu.vector_store %arg7[%swap3A_98], %swap3A_101 {strides = array<i32>} : memref<128xf32, #tpu.memory_space<vmem>>, vector<16xf32>,
    "tpu.region"() ({
      %run_scoped3A = tpu.sem_alloc : memref<!tpu.dma_semaphore, #tpu.memory_space<semaphore_mem>>
      %dma_start3A = tpu.memref_slice %arg4[%mul3A_2] : memref<4096xf32, #tpu.memory_space<hbm>> -> memref<128xf32, #tpu.memory_space<hbm>>
      %dma_start3A_102 = tpu.memref_slice %arg4[%mul3A_2] : memref<4096xf32, #tpu.memory_space<hbm>> -> memref<128xf32, #tpu.memory_space<hbm>>
      tpu.enqueue_dma source(%arg7 : memref<128xf32, #tpu.memory_space<vmem>>) target(%dma_start3A_102 : memref<128xf32, #tpu.memory_space<hbm>>) target_semaphore(%run_scoped3A : memref<!tpu.dma_semaphore, #tpu.memory_space<semaphore_mem>>)
      %dma_wait3A = tpu.memref_slice %arg4[%mul3A_2] : memref<4096xf32, #tpu.memory_space<hbm>> -> memref<128xf32, #tpu.memory_space<hbm>>
      %dma_wait3A_103 = tpu.memref_slice %arg4[%mul3A_2] : memref<4096xf32, #tpu.memory_space<hbm>> -> memref<128xf32, #tpu.memory_space<hbm>>
      tpu.wait_dma2 semaphore(%run_scoped3A : memref<!tpu.dma_semaphore, #tpu.memory_space<semaphore_mem>>) src(%arg7 : memref<128xf32, #tpu.memory_space<vmem>>) dst(%dma_wait3A_103 : memref<128xf32, #tpu.memory_space<hbm>>)
      tpu.yield
    }) : () -> ()
    return
  }
}

module attributes {stable_mosaic.version = 14 : i64} {
  func.func @_score_body(%arg0: i32, %arg1: memref<64x1xf32, #tpu.memory_space<vmem>>, %arg2: memref<1x1xf32, #tpu.memory_space<vmem>>, %arg3: memref<16384x64xf32, #tpu.memory_space<vmem>>, %arg4: memref<16384xf32, #tpu.memory_space<vmem>>) attributes {dimension_semantics = [#tpu.dimension_semantics<arbitrary>], iteration_bounds = array<i64: 62>, scalar_prefetch = 0 : i64, scratch_operands = 0 : i64, tpu.core_type = #tpu.core_type<tc>, window_params = [{pipeline_mode = #tpu.pipeline_mode<synchronous>, transform_indices = @transform_0, window_bounds = array<i64: 64, 1>}, {pipeline_mode = #tpu.pipeline_mode<synchronous>, transform_indices = @transform_1, window_bounds = array<i64: 1, 1>}, {transform_indices = @transform_2, window_bounds = array<i64: 16384, 64>}, {transform_indices = @transform_3, window_bounds = array<i64: 16384>}]} {
    %get3A = arith.constant 0 : index
    %get3A_0 = arith.constant 0 : index
    %get3A_1 = vector.load %arg3[%get3A, %get3A_0] : memref<16384x64xf32, #tpu.memory_space<vmem>>, vector<16384x64xf32>
    %get3A_2 = arith.constant 0 : index
    %get3A_3 = arith.constant 0 : index
    %get3A_4 = vector.load %arg1[%get3A_2, %get3A_3] : memref<64x1xf32, #tpu.memory_space<vmem>>, vector<64x1xf32>
    %reshape3A = vector.shape_cast %get3A_4 : vector<64x1xf32> to vector<1x64xf32>
    %mul3A = vector.broadcast %reshape3A : vector<1x64xf32> to vector<16384x64xf32>
    %mul3A_5 = arith.mulf %get3A_1, %mul3A : vector<16384x64xf32>
    %reduce_sum3A = arith.constant dense<0.000000e+00> : vector<16384xf32>
    %reduce_sum3A_6 = vector.multi_reduction <add>, %mul3A_5, %reduce_sum3A [1] : vector<16384x64xf32> to vector<16384xf32>
    %get3A_7 = arith.constant 0 : index
    %get3A_8 = arith.constant 0 : index
    %get3A_9 = vector.load %arg2[%get3A_7, %get3A_8] : memref<1x1xf32, #tpu.memory_space<vmem>>, vector<1x1xf32>
    %get3A_10 = vector.extract %get3A_9[0, 0] : f32 from vector<1x1xf32>
    %add3A = vector.broadcast %get3A_10 : f32 to vector<16384xf32>
    %add3A_11 = arith.addf %reduce_sum3A_6, %add3A : vector<16384xf32>
    %swap3A = arith.constant 0 : index
    %swap3A_12 = vector.load %arg4[%swap3A] : memref<16384xf32, #tpu.memory_space<vmem>>, vector<16384xf32>
    tpu.vector_store %arg4[%swap3A], %add3A_11 {strides = array<i32>} : memref<16384xf32, #tpu.memory_space<vmem>>, vector<16384xf32>,
    return
  }
  func.func @transform_0(%arg0: i32) -> (i32, i32) {
    %c0_i32 = arith.constant 0 : i32
    %c0_i32_0 = arith.constant 0 : i32
    %c0_i32_1 = arith.constant 0 : i32
    return %c0_i32, %c0_i32_0 : i32, i32
  }
  func.func @transform_1(%arg0: i32) -> (i32, i32) {
    %c0_i32 = arith.constant 0 : i32
    %c0_i32_0 = arith.constant 0 : i32
    %c0_i32_1 = arith.constant 0 : i32
    return %c0_i32, %c0_i32_0 : i32, i32
  }
  func.func @transform_2(%arg0: i32) -> (i32, i32) {
    %c0_i32 = arith.constant 0 : i32
    %c0_i32_0 = arith.constant 0 : i32
    return %arg0, %c0_i32 : i32, i32
  }
  func.func @transform_3(%arg0: i32) -> i32 {
    %c0_i32 = arith.constant 0 : i32
    return %arg0 : i32
  }
}

</mosaic_0001>

<sc_bundles>
// kernel: kernel.4.cloned.1.call-start
scs
__scs_entry_jumppad:
0x0: {  	(pc) =	sbr.rel $0x88, $3  }
0x1: {  	(tag) =	ssettag $0x0;
	lr =	simm.s32 $0x1  }
0x2: {  	[smem:$0x3F9D] =	sst lr;
	_ =	strace $0xD0000000  }
0x3: {  	_ = 	snop  }
0x4: {  	_ = 	snop  }
0x5: {  	_ = 	snop  }
0x6: {  	_ = 	snop  }
0x7: {  	_ = 	snop  }
__scs_overlays_trampoline_lowered:
0x8: {  	[smem:$0x3FAC] =	sst s0  }
0x9: {  	[smem:$0x3FAD] =	sst s1  }
0xa: {  	[smem:$0x3FAE] =	sst s2  }
0xb: {  	[smem:$0x3FAF] =	sst s3  }
0xc: {  	[smem:$0x3FB0] =	sst s4  }
0xd: {  	[smem:$0x3FB1] =	sst s5  }
0xe: {  	[smem:$0x3FB2] =	sst s6  }
0xf: {  	[smem:$0x3FB3] =	sst s7  }
0x10: {  	[smem:$0x3FB4] =	sst s8  }
0x11: {  	[smem:$0x3FB5] =	sst s9;
	s0 =	simm.s32 @!p0 $0x0  }
0x12: {  	s1 =	sld [smem:$0x3F9B];
	s0 =	simm.s32 @p0 $0x1  }
0x13: {  	[smem:$0x3FB6] =	sst s0;
	s0 =	simm.s32 @!p1 $0x0  }
0x14: {  	s2 =	sld [smem:$0x3F9A];
	s0 =	simm.s32 @p1 $0x1  }
0x15: {  	[smem:$0x3FB7] =	sst s0;
	s0 =	simm.s32 @!p2 $0x0  }
0x16: {  	s3 =	sld [smem:$0x3FDB];
	s0 =	simm.s32 @p2 $0x1  }
0x17: {  	s4 =	simm.s32 $0x1BF5;
	[smem:$0x3FB9] =	sst s0  }
0x18: {  	s0 =	sld [smem:$0x3F9C];
	_ =	swait.ge [sflag:s4], $0x0  }
0x19: {  	s7 =	sld [smem:$0x3F9D]  }
0x1a: {  	s8 =	sadd.s32 $0xFFFFE003, lr  }
0x1b: {  	s9 =	sadd.s32 $0xFFFFFEF7, lr;
	s5 =	simm.s32 $0xFFFFFFFF;
	p2 =	slt.u32 s8, $0xFFFFF086  }
0x1c: {  	p1 =	slt.u32 s9, $0xF7A;
	s5 =	simm.s32 @!p2 $0x0  }
0x1d: {  	s5 =	simm.s32 @p1 $0x1;
	p0 =	seq.s32 s7, s2  }
0x1e: {  	s7 =	smul.u32 @!p0 $0xF7A, s2;
	p2 =	seq.s32 @!p0 s5, $0x0  }
0x1f: {  	s9 =	smul.u32 $0xF7A, s1;
	s8 =	simm.s32 @!p0 $0x1BF5;
	p2 =	por !p2, p0  }
0x20: {  	[sflag:s8] =	ssyncset.s32 @!p0 $0xFFFFF086;
	s6 =	sadd.s32 @!p0 s3, s7;
	s7 =	simm.s32 @!p0 $0x108  }
0x21: {  	s3 =	sadd.s32 s3, s9;
	s6 =	sadd.s32 @!p0 $0x88, s6;
	s7 =	simm.s32 @p2 $0x1082  }
0x22: {  	[simem:s7], [sflag:s8] =	dma.local @!p0 [hbm:s6], $0xF7A  }
0x23: {  	s9 =	sor.u32 $0xD0000000, s2;
	s6 =	simm.s32 $0x108;
	_ =	swait.ge @!p0 [sflag:s8], $0x0  }
0x24: {  	s3 =	sadd.s32 $0x88, s3;
	s6 =	simm.s32 @!p1 $0x1082;
	[sflag:s4] =	ssyncset.s32 $0xFFFFF086  }
0x25: {  	[simem:s6], [sflag:s4] =	dma.local [hbm:s3], $0xF7A  }
0x26: {  	[smem:$0x3F9D] =	sst s1;
	(tag) =	ssettag s2;
	_ =	strace s9  }
0x27: {  	s1 =	sld [smem:$0x3FAD]  }
0x28: {  	s2 =	sld [smem:$0x3FAE]  }
0x29: {  	s4 =	sld [smem:$0x3FB0]  }
0x2a: {  	p0 =	seq.s32 s5, $0x0;
	s5 =	sld [smem:$0x3FB1]  }
0x2b: {  	s6 =	sld [smem:$0x3FB2]  }
0x2c: {  	s7 =	sld [smem:$0x3FB3]  }
0x2d: {  	s3 =	simm.s32 $0x108;
	s8 =	sld [smem:$0x3FB4]  }
0x2e: {  	s3 =	simm.s32 @!p0 $0x1082;
	s9 =	sld [smem:$0x3FB5]  }
0x2f: {  	lr =	sadd.s32 s0, s3;
	s0 =	sld [smem:$0x3FAC]  }
0x30: {  	s3 =	sld [smem:$0x3FAF]  }
0x31: {  	[smem:$0x3FB8] =	sst s10  }
0x32: {  	s10 =	sld [smem:$0x3FB6];
	_ =	sdelay $0x3  }
0x33: {  	p0 =	seq.s32 s10, $0x1;
	s10 =	sld [smem:$0x3FB8];
	_ =	sdelay $0x3  }
0x34: {  	[smem:$0x3FB8] =	sst s10  }
0x35: {  	s10 =	sld [smem:$0x3FB7];
	_ =	sdelay $0x3  }
0x36: {  	p1 =	seq.s32 s10, $0x1;
	s10 =	sld [smem:$0x3FB8];
	_ =	sdelay $0x3  }
0x37: {  	[smem:$0x3FB8] =	sst s10  }
0x38: {  	s10 =	sld [smem:$0x3FB9]  }
0x39: {  	_ = 	snop;
	(pc) =	sbr.ind lr, $3  }
0x3a: {  	_ = 	snop  }
0x3b: {  	_ = 	snop  }
0x3c: {  	p2 =	seq.s32 s10, $0x1;
	s10 =	sld [smem:$0x3FB8]  }
0x3d: {  	_ =	shalt  }
0x3e: {  	_ =	shalt  }
0x3f: {  	_ =	shalt  }
0x40: {  	_ =	shalt  }
0x41: {  	_ =	shalt  }
0x42: {  	_ =	shalt  }
0x43: {  	_ =	shalt  }
0x44: {  	_ =	shalt  }
0x45: {  	_ =	shalt  }
0x46: {  	_ =	shalt  }
0x47: {  	_ =	shalt  }
0x48: {  	_ =	shalt  }
0x49: {  	_ =	shalt  }
0x4a: {  	_ =	shalt  }
0x4b: {  	_ =	shalt  }
0x4c: {  	_ =	shalt  }
0x4d: {  	_ =	shalt  }
0x4e: {  	_ =	shalt  }
0x4f: {  	_ =	shalt  }
0x50: {  	_ =	shalt  }
0x51: {  	_ =	shalt  }
0x52: {  	_ =	shalt  }
0x53: {  	_ =	shalt  }
0x54: {  	_ =	shalt  }
0x55: {  	_ =	shalt  }
0x56: {  	_ =	shalt  }
0x57: {  	_ =	shalt  }
0x58: {  	_ =	shalt  }
0x59: {  	_ =	shalt  }
0x5a: {  	_ =	shalt  }
0x5b: {  	_ =	shalt  }
0x5c: {  	_ =	shalt  }
0x5d: {  	_ =	shalt  }
0x5e: {  	_ =	shalt  }
0x5f: {  	_ =	shalt  }
0x60: {  	_ =	shalt  }
0x61: {  	_ =	shalt  }
0x62: {  	_ =	shalt  }
0x63: {  	_ =	shalt  }
0x64: {  	_ =	shalt  }
0x65: {  	_ =	shalt  }
0x66: {  	_ =	shalt  }
0x67: {  	_ =	shalt  }
0x68: {  	_ =	shalt  }
0x69: {  	_ =	shalt  }
0x6a: {  	_ =	shalt  }
0x6b: {  	_ =	shalt  }
0x6c: {  	_ =	shalt  }
0x6d: {  	_ =	shalt  }
0x6e: {  	_ =	shalt  }
0x6f: {  	_ =	shalt  }
0x70: {  	_ =	shalt  }
0x71: {  	_ =	shalt  }
0x72: {  	_ =	shalt  }
0x73: {  	_ =	shalt  }
0x74: {  	_ =	shalt  }
0x75: {  	_ =	shalt  }
0x76: {  	_ =	shalt  }
0x77: {  	_ =	shalt  }
0x78: {  	_ =	shalt  }
0x79: {  	_ =	shalt  }
0x7a: {  	_ =	shalt  }
0x7b: {  	_ =	shalt  }
0x7c: {  	_ =	shalt  }
0x7d: {  	_ =	shalt  }
0x7e: {  	_ =	shalt  }
0x7f: {  	_ =	shalt  }
0x80: {  	_ =	shalt  }
0x81: {  	_ =	shalt  }
0x82: {  	_ =	shalt  }
0x83: {  	_ =	shalt  }
0x84: {  	_ =	shalt  }
0x85: {  	_ =	shalt  }
0x86: {  	_ =	shalt  }
0x87: {  	_ =	shalt  }
.Lfunc_end0:
.L_simem_size_0:
called_computation_lowered:
.L_overlay_start_0:
0x88: {  	s2 =	sld [smem:$0x3FD9]  }
0x89: {  	s3 =	sld [smem:$0x3FFE];
	_ =	sdelay $0x1  }
0x8a: {  	s1 =	srdreg.scid  }
0x8b: {  	s0 =	sand.u32 $0x1, s1  }
0x8c: {  	s17 =	sshll.u32 s0, $0xA;
	s2 =	sadd.s32 s3, s2  }
0x8d: {  	s2 =	sadd.s32 s2, s17  }
0x8e: {  	[smem:$0x3FC4] =	sst s2  }
0x8f: {  	_ = 	snop  }
0x90: {  	s2 =	sld [smem:$0x3FC9]  }
0x91: {  	s18 =	sld [smem:$0x3FD0];
	(tm) =	ssettm $0x1  }
0x92: {  	s4 =	sld [smem:$0x3FFB];
	_ =	sdelay $0x3  }
0x93: {  	_ =	strace s4  }
0x94: {  	s4 =	sld [smem:$0x3FFC];
	_ =	sdelay $0x3  }
0x95: {  	_ =	strace s4  }
0x96: {  	s4 =	sld [smem:$0x3FFD];
	_ =	sdelay $0x3  }
0x97: {  	_ =	strace s4  }
0x98: {  	_ =	strace $0x8FFFFFFF  }
0x99: {  	s19 =	sld [smem:$0x3FDB];
	_ =	sdelay $0x1  }
0x9a: {  	s5 =	simm.s32 $_scs_section_size  }
0x9b: {  	s6 =	simm.s32 $_size__tile_overlayer_lowered;
	s7 =	simm.s32 $_tile_overlayer_lowered  }
0x9c: {  	s22 =	simm.s32 $0x1BFF;
	s21 =	sshll.u32 s7, $0x1;
	s4 =	sadd.s32 s5, s19  }
0x9d: {  	s8 =	simm.s32 $0x0;
	s20 =	sshll.u32 s6, $0x1;
	s6 =	sadd.s32 s21, s4  }
0x9e: {  	[timem:s8], [sflag:s22] =	dma.local [hbm:s6], s20  }
0x9f: {  	_ =	swait.ge [sflag:s22], s20  }
0xa0: {  	s5 =	ssub.s32 $0x0, s20;
	[sflag:s22] =	ssyncset.done $0x0  }
0xa1: {  	[sflag:s22] =	ssyncadd.s32 s5;
	_ =	sdelay $0x1  }
0xa2: {  	s23 =	simm.s32 $0x1B8B  }
0xa3: {  	_ =	swait.ge [sflag:s23], $0x1  }
0xa4: {  	[sflag:s23] =	ssyncset.done $0x0  }
0xa5: {  	s25 =	simm.s32 $0x1B8E;
	s24 =	sld [smem:$0x3FFE];
	[sflag:s23] =	ssyncadd.s32 $0xFFFFFFFF  }
0xa6: {  	s26 =	simm.s32 $execute0_lowered;
	[smem:$0x3FD2] =	sst s25  }
0xa7: {  	s6 =	sshll.u32 s26, $0x1;
	_ =	strace $0x80000046;
	[dreg:$0x1] =	wrdreg $0xFFFFFFFF  }
0xa8: {  	s28 =	simm.s32 $_size_execute0_lowered;
	s4 =	sadd.s32 s4, s6;
	[dreg:$0x0] =	wrdreg $0x0  }
0xa9: {  	s6 =	sshll.u32 s28, $0x1;
	[dreg:$0x2] =	wrdreg s4  }
0xaa: {  	[dreg:$0x3] =	wrdreg s6  }
0xab: {  	[dreg:$0x4] =	wrdreg $0xC0  }
0xac: {  	_ =	task [dreg:s8], $0x5FFFF  }
0xad: {  	[dreg:$0x1] =	wrdreg $0xFFFFFFFF  }
0xae: {  	[dreg:$0x0] =	wrdreg $0x60  }
0xaf: {  	[dreg:$0x2] =	wrdreg s24  }
0xb0: {  	[dreg:$0x3] =	wrdreg s2  }
0xb1: {  	[dreg:$0x4] =	wrdreg s18  }
0xb2: {  	[dreg:$0x5] =	wrdreg $0x9  }
0xb3: {  	_ =	task.clear_ibuf [dreg:s8], $0x6FFFF;
	_ =	strace $0x90000046  }
0xb4: {  	s29 =	simm.s32 $0x9;
	_ =	strace $0x80000048  }
0xb5: {  	_ =	swait.ge [sflag:s29], $0x1  }
0xb6: {  	[sflag:s29] =	ssyncadd.s32 $0xFFFFFFFF  }
0xb7: {  	_ =	strace $0x90000048  }
0xb8: {  	_ =	sfence  }
0xb9: {  	s30 =	sld [smem:$0x0];
	_ =	sdelay $0x2  }
0xba: {  	s31 =	sshll.u32 s1, $0xD;
	s1 =	sshrl.u32 s1, $0x2  }
0xbb: {  	s3 =	sand.u32 $0x4000, s31;
	s1 =	sadd.s32 s1, s30  }
0xbc: {  	s0 =	sor.u32 s3, s0;
	s1 =	sshll.u32 s1, $0x11  }
0xbd: {  	s0 =	sor.u32 s1, s0  }
0xbe: {  	s0 =	sadd.s32 $0x8F2B, s0  }
0xbf: {  	[sflag:s0] =	ssyncadd.remote.s32 $0x1  }
0xc0: {  	_ =	sfence.sel $0xFFFF  }
0xc1: {  	[dreg:$0x0] =	wrdreg $0xFFFFFFFF;
	(pc) =	sbr.abs _section_cstart, $3  }
0xc2: {  	[dreg:$0x1] =	wrdreg $0xFFFFFFFF  }
0xc3: {  	_ =	task.clear_ibuf [dreg:s8], $0x2FFFF;
	_ =	strace $0x9FFFFFFF  }
0xc4: {  	(tm) =	ssettm $0x7FFFFFFF  }
0xc5: {  	_ =	shalt  }
tec
execute0_lowered:
.L_overlay_start_1:
0x0: {  	(tag) =	ssettag $0x1  }
0x1: {  	s3 =	rddreg [dreg:$0x0]  }
0x2: {  	s4 =	rddreg [dreg:$0x1]  }
0x3: {  	s5 =	rddreg [dreg:$0x2]  }
0x4: {  	s0 =	rddreg [dreg:$0x3]  }
0x5: {  	s2 =	simm.s32 $0x0;
	s6 =	srdreg.scid;
	s1 =	stileid.u32  }
0x6: {  	s10 =	simm.s32 $0x80;
	s11 =	simm.s32 $0x1;
	s12 =	simm.s32 $0xC800  }
0x7: {  	s13 =	simm.s32 $0x0;
	[smem:$0x7FF] =	sst s2;
	s6 =	sand.u32 $0x1, s6  }
0x8: {  	s7 =	sshll.u32 s1, $0x1;
	s3 =	sadd.s32 $0x800, s3;
	s8 =	ssub.s32 $0x2, s6  }
0x9: {  	_ =	strace $0x80000047;
	s6 =	sor.u32 s6, s7;
	s31 =	sshrl.u32 s8, $0x1  }
0xa: {  	s9 =	sshll.u32 s6, $0x7;
	s6 =	sshll.u32 s6, $0x4;
	s7 =	ssub.s32 s8, s31  }
0xb: {  	s4 =	sadd.s32 s4, s9;
	s5 =	sadd.s32 s5, s6;
	s8 =	simm.s32 $0x8000  }
0xc: {  	s9 =	simm.s32 $0x2;
	s6 =	smax.u32 s7, $0x1;
	s7 =	simm.s32 $0x400  }
.LBB2_1:
0xd: {  	[tilespmem:s2], [sflag:$0x2] =	stream.strided.gather [hbm4b:s4+s7], $0x6400, s8, s7, $0x38;
	[tilespmem:$0xC880] =	vst v63  }
0xe: {  	_ =	swait.ge [sflag:s9], $0x6400  }
0xf: {  	[sflag:s9] =	ssyncset.done $0x0  }
0x10: {  	s14 =	simm.s32 $0x0;
	s15 =	simm.s32 $0x6400;
	[sflag:s9] =	ssyncadd.s32 $0xFFFF9C00  }
0x11: {  	[tilespmem:s15], [sflag:$0x1] =	stream.indirect.gather [hbm4b:s3+s10], $0x1, s14, s10, $0xb8;
	[tilespmem:$0xC880] =	vst v63  }
0x12: {  	s25 =	simm.s32 $0x6480;
	s26 =	simm.s32 $0x80  }
0x13: {  	[tilespmem:s25], [sflag:$0x1] =	stream.indirect.gather [hbm4b:s3+s10], $0x1, s26, s10, $0xb8;
	[tilespmem:$0xC880] =	vst v63  }
0x14: {  	s28 =	simm.s32 $0x6500;
	s29 =	simm.s32 $0x100  }
0x15: {  	[tilespmem:s28], [sflag:$0x1] =	stream.indirect.gather [hbm4b:s3+s10], $0x1, s29, s10, $0xb8;
	[tilespmem:$0xC880] =	vst v63  }
0x16: {  	s30 =	simm.s32 $0x6580;
	s31 =	simm.s32 $0x180  }
0x17: {  	[tilespmem:s30], [sflag:$0x1] =	stream.indirect.gather [hbm4b:s3+s10], $0x1, s31, s10, $0xb8;
	[tilespmem:$0xC880] =	vst v63  }
0x18: {  	s16 =	simm.s32 $0x200;
	s15 =	simm.s32 $0x6600  }
0x19: {  	[tilespmem:s15], [sflag:$0x1] =	stream.indirect.gather [hbm4b:s3+s10], $0x1, s16, s10, $0xb8;
	[tilespmem:$0xC880] =	vst v63  }
0x1a: {  	s17 =	simm.s32 $0x6680;
	s18 =	simm.s32 $0x280  }
0x1b: {  	[tilespmem:s17], [sflag:$0x1] =	stream.indirect.gather [hbm4b:s3+s10], $0x1, s18, s10, $0xb8;
	[tilespmem:$0xC880] =	vst v63  }
0x1c: {  	s19 =	simm.s32 $0x6700;
	s20 =	simm.s32 $0x300  }
0x1d: {  	[tilespmem:s19], [sflag:$0x1] =	stream.indirect.gather [hbm4b:s3+s10], $0x1, s20, s10, $0xb8;
	[tilespmem:$0xC880] =	vst v63  }
0x1e: {  	s21 =	simm.s32 $0x6780;
	s22 =	simm.s32 $0x380  }
0x1f: {  	[tilespmem:s21], [sflag:$0x1] =	stream.indirect.gather [hbm4b:s3+s10], $0x1, s22, s10, $0xb8;
	[tilespmem:$0xC880] =	vst v63  }
0x20: {  	s23 =	simm.s32 $0x6800;
	s24 =	simm.s32 $0x400  }
0x21: {  	[tilespmem:s23], [sflag:$0x1] =	stream.indirect.gather [hbm4b:s3+s10], $0x1, s24, s10, $0xb8;
	[tilespmem:$0xC880] =	vst v63  }
0x22: {  	s25 =	simm.s32 $0x6880;
	s26 =	simm.s32 $0x480  }
0x23: {  	[tilespmem:s25], [sflag:$0x1] =	stream.indirect.gather [hbm4b:s3+s10], $0x1, s26, s10, $0xb8;
	[tilespmem:$0xC880] =	vst v63  }
0x24: {  	s28 =	simm.s32 $0x6900;
	s29 =	simm.s32 $0x500  }
0x25: {  	[tilespmem:s28], [sflag:$0x1] =	stream.indirect.gather [hbm4b:s3+s10], $0x1, s29, s10, $0xb8;
	[tilespmem:$0xC880] =	vst v63  }
0x26: {  	s30 =	simm.s32 $0x6980;
	s31 =	simm.s32 $0x580  }
0x27: {  	[tilespmem:s30], [sflag:$0x1] =	stream.indirect.gather [hbm4b:s3+s10], $0x1, s31, s10, $0xb8;
	[tilespmem:$0xC880] =	vst v63  }
0x28: {  	s15 =	simm.s32 $0x6A00;
	s16 =	simm.s32 $0x600  }
0x29: {  	[tilespmem:s15], [sflag:$0x1] =	stream.indirect.gather [hbm4b:s3+s10], $0x1, s16, s10, $0xb8;
	[tilespmem:$0xC880] =	vst v63  }
0x2a: {  	s17 =	simm.s32 $0x6A80;
	s18 =	simm.s32 $0x680  }
0x2b: {  	[tilespmem:s17], [sflag:$0x1] =	stream.indirect.gather [hbm4b:s3+s10], $0x1, s18, s10, $0xb8;
	[tilespmem:$0xC880] =	vst v63  }
0x2c: {  	s19 =	simm.s32 $0x6B00;
	s20 =	simm.s32 $0x700  }
0x2d: {  	[tilespmem:s19], [sflag:$0x1] =	stream.indirect.gather [hbm4b:s3+s10], $0x1, s20, s10, $0xb8;
	[tilespmem:$0xC880] =	vst v63  }
0x2e: {  	s21 =	simm.s32 $0x6B80;
	s22 =	simm.s32 $0x780  }
0x2f: {  	[tilespmem:s21], [sflag:$0x1] =	stream.indirect.gather [hbm4b:s3+s10], $0x1, s22, s10, $0xb8;
	[tilespmem:$0xC880] =	vst v63  }
0x30: {  	s23 =	simm.s32 $0x6C00;
	s24 =	simm.s32 $0x800  }
0x31: {  	[tilespmem:s23], [sflag:$0x1] =	stream.indirect.gather [hbm4b:s3+s10], $0x1, s24, s10, $0xb8;
	[tilespmem:$0xC880] =	vst v63  }
0x32: {  	s25 =	simm.s32 $0x6C80;
	s26 =	simm.s32 $0x880  }
0x33: {  	[tilespmem:s25], [sflag:$0x1] =	stream.indirect.gather [hbm4b:s3+s10], $0x1, s26, s10, $0xb8;
	[tilespmem:$0xC880] =	vst v63  }
0x34: {  	s28 =	simm.s32 $0x6D00;
	s29 =	simm.s32 $0x900  }
0x35: {  	[tilespmem:s28], [sflag:$0x1] =	stream.indirect.gather [hbm4b:s3+s10], $0x1, s29, s10, $0xb8;
	[tilespmem:$0xC880] =	vst v63  }
0x36: {  	s30 =	simm.s32 $0x6D80;
	s31 =	simm.s32 $0x980  }
0x37: {  	[tilespmem:s30], [sflag:$0x1] =	stream.indirect.gather [hbm4b:s3+s10], $0x1, s31, s10, $0xb8;
	[tilespmem:$0xC880] =	vst v63  }
0x38: {  	_ =	swait.ge [sflag:s11], $0x80  }
0x39: {  	[sflag:s11] =	ssyncset.done $0x0  }
0x3a: {  	[sflag:s11] =	ssyncadd.s32 $0xFFFFFF80  }
0x3b: {  	_ =	swait.ge [sflag:s11], $0x80  }
0x3c: {  	[sflag:s11] =	ssyncset.done $0x0  }
0x3d: {  	[sflag:s11] =	ssyncadd.s32 $0xFFFFFF80  }
0x3e: {  	_ =	swait.ge [sflag:s11], $0x80  }
0x3f: {  	[sflag:s11] =	ssyncset.done $0x0  }
0x40: {  	[sflag:s11] =	ssyncadd.s32 $0xFFFFFF80  }
0x41: {  	_ =	swait.ge [sflag:s11], $0x80  }
0x42: {  	[sflag:s11] =	ssyncset.done $0x0  }
0x43: {  	[sflag:s11] =	ssyncadd.s32 $0xFFFFFF80  }
0x44: {  	_ =	swait.ge [sflag:s11], $0x80  }
0x45: {  	[sflag:s11] =	ssyncset.done $0x0  }
0x46: {  	[sflag:s11] =	ssyncadd.s32 $0xFFFFFF80  }
0x47: {  	_ =	swait.ge [sflag:s11], $0x80  }
0x48: {  	[sflag:s11] =	ssyncset.done $0x0  }
0x49: {  	[sflag:s11] =	ssyncadd.s32 $0xFFFFFF80  }
0x4a: {  	_ =	swait.ge [sflag:s11], $0x80  }
0x4b: {  	[sflag:s11] =	ssyncset.done $0x0  }
0x4c: {  	[sflag:s11] =	ssyncadd.s32 $0xFFFFFF80  }
0x4d: {  	_ =	swait.ge [sflag:s11], $0x80  }
0x4e: {  	[sflag:s11] =	ssyncset.done $0x0  }
0x4f: {  	[sflag:s11] =	ssyncadd.s32 $0xFFFFFF80  }
0x50: {  	_ =	swait.ge [sflag:s11], $0x80  }
0x51: {  	[sflag:s11] =	ssyncset.done $0x0  }
0x52: {  	[sflag:s11] =	ssyncadd.s32 $0xFFFFFF80  }
0x53: {  	_ =	swait.ge [sflag:s11], $0x80  }
0x54: {  	[sflag:s11] =	ssyncset.done $0x0  }
0x55: {  	[sflag:s11] =	ssyncadd.s32 $0xFFFFFF80  }
0x56: {  	_ =	swait.ge [sflag:s11], $0x80  }
0x57: {  	[sflag:s11] =	ssyncset.done $0x0  }
0x58: {  	[sflag:s11] =	ssyncadd.s32 $0xFFFFFF80  }
0x59: {  	_ =	swait.ge [sflag:s11], $0x80  }
0x5a: {  	[sflag:s11] =	ssyncset.done $0x0  }
0x5b: {  	[sflag:s11] =	ssyncadd.s32 $0xFFFFFF80  }
0x5c: {  	_ =	swait.ge [sflag:s11], $0x80  }
0x5d: {  	[sflag:s11] =	ssyncset.done $0x0  }
0x5e: {  	[sflag:s11] =	ssyncadd.s32 $0xFFFFFF80  }
0x5f: {  	_ =	swait.ge [sflag:s11], $0x80  }
0x60: {  	[sflag:s11] =	ssyncset.done $0x0  }
0x61: {  	[sflag:s11] =	ssyncadd.s32 $0xFFFFFF80  }
0x62: {  	_ =	swait.ge [sflag:s11], $0x80  }
0x63: {  	[sflag:s11] =	ssyncset.done $0x0  }
0x64: {  	[sflag:s11] =	ssyncadd.s32 $0xFFFFFF80  }
0x65: {  	_ =	swait.ge [sflag:s11], $0x80  }
0x66: {  	[sflag:s11] =	ssyncset.done $0x0  }
0x67: {  	[sflag:s11] =	ssyncadd.s32 $0xFFFFFF80  }
0x68: {  	_ =	swait.ge [sflag:s11], $0x80  }
0x69: {  	[sflag:s11] =	ssyncset.done $0x0  }
0x6a: {  	[sflag:s11] =	ssyncadd.s32 $0xFFFFFF80  }
0x6b: {  	_ =	swait.ge [sflag:s11], $0x80  }
0x6c: {  	[sflag:s11] =	ssyncset.done $0x0  }
0x6d: {  	[sflag:s11] =	ssyncadd.s32 $0xFFFFFF80  }
0x6e: {  	_ =	swait.ge [sflag:s11], $0x80  }
0x6f: {  	[sflag:s11] =	ssyncset.done $0x0  }
0x70: {  	[sflag:s11] =	ssyncadd.s32 $0xFFFFFF80  }
0x71: {  	_ =	swait.ge [sflag:s11], $0x80  }
0x72: {  	s16 =	simm.s32 $0xA00;
	s17 =	simm.s32 $0x5000;
	[sflag:s11] =	ssyncset.done $0x0  }
.LBB2_2:
0x73: {  	s18 =	sadd.s32 $0x6400, s16  }
0x74: {  	[sflag:s11] =	ssyncadd.s32 $0xFFFFFF80;
	s15 =	smov.u32 s17;
	s14 =	sadd.s32 $0x2800, s17  }
0x75: {  	[tilespmem:s18], [sflag:$0x1] =	stream.indirect.gather [hbm4b:s3+s10], $0x1, s16, s10, $0xb8;
	[tilespmem:$0xC880] =	vst v63  }
0x76: {  	p0 =	sne.s32 s17, $0x16800;
	s17 =	sadd.s32 $0x6480, s16;
	s18 =	sadd.s32 $0x80, s16  }
0x77: {  	[tilespmem:s17], [sflag:$0x1] =	stream.indirect.gather [hbm4b:s3+s10], $0x1, s18, s10, $0xb8;
	[tilespmem:$0xC880] =	vst v63  }
0x78: {  	s17 =	sadd.s32 $0x6500, s16;
	s18 =	sadd.s32 $0x100, s16  }
0x79: {  	[tilespmem:s17], [sflag:$0x1] =	stream.indirect.gather [hbm4b:s3+s10], $0x1, s18, s10, $0xb8;
	[tilespmem:$0xC880] =	vst v63  }
0x7a: {  	s17 =	sadd.s32 $0x6580, s16;
	s18 =	sadd.s32 $0x180, s16  }
0x7b: {  	[tilespmem:s17], [sflag:$0x1] =	stream.indirect.gather [hbm4b:s3+s10], $0x1, s18, s10, $0xb8;
	[tilespmem:$0xC880] =	vst v63  }
0x7c: {  	s17 =	sadd.s32 $0x6600, s16;
	s18 =	sadd.s32 $0x200, s16  }
0x7d: {  	[tilespmem:s17], [sflag:$0x1] =	stream.indirect.gather [hbm4b:s3+s10], $0x1, s18, s10, $0xb8;
	[tilespmem:$0xC880] =	vst v63  }
0x7e: {  	s17 =	sadd.s32 $0x6680, s16;
	s18 =	sadd.s32 $0x280, s16  }
0x7f: {  	[tilespmem:s17], [sflag:$0x1] =	stream.indirect.gather [hbm4b:s3+s10], $0x1, s18, s10, $0xb8;
	[tilespmem:$0xC880] =	vst v63  }
0x80: {  	s17 =	sadd.s32 $0x6700, s16;
	s18 =	sadd.s32 $0x300, s16  }
0x81: {  	[tilespmem:s17], [sflag:$0x1] =	stream.indirect.gather [hbm4b:s3+s10], $0x1, s18, s10, $0xb8;
	[tilespmem:$0xC880] =	vst v63  }
0x82: {  	s17 =	sadd.s32 $0x6780, s16;
	s18 =	sadd.s32 $0x380, s16  }
0x83: {  	[tilespmem:s17], [sflag:$0x1] =	stream.indirect.gather [hbm4b:s3+s10], $0x1, s18, s10, $0xb8;
	[tilespmem:$0xC880] =	vst v63  }
0x84: {  	s17 =	sadd.s32 $0x6800, s16;
	s18 =	sadd.s32 $0x400, s16  }
0x85: {  	[tilespmem:s17], [sflag:$0x1] =	stream.indirect.gather [hbm4b:s3+s10], $0x1, s18, s10, $0xb8;
	[tilespmem:$0xC880] =	vst v63  }
0x86: {  	s17 =	sadd.s32 $0x6880, s16;
	s18 =	sadd.s32 $0x480, s16  }
0x87: {  	[tilespmem:s17], [sflag:$0x1] =	stream.indirect.gather [hbm4b:s3+s10], $0x1, s18, s10, $0xb8;
	[tilespmem:$0xC880] =	vst v63  }
0x88: {  	s17 =	sadd.s32 $0x6900, s16;
	s18 =	sadd.s32 $0x500, s16  }
0x89: {  	[tilespmem:s17], [sflag:$0x1] =	stream.indirect.gather [hbm4b:s3+s10], $0x1, s18, s10, $0xb8;
	[tilespmem:$0xC880] =	vst v63  }
0x8a: {  	s17 =	sadd.s32 $0x6980, s16;
	s18 =	sadd.s32 $0x580, s16  }
0x8b: {  	[tilespmem:s17], [sflag:$0x1] =	stream.indirect.gather [hbm4b:s3+s10], $0x1, s18, s10, $0xb8;
	[tilespmem:$0xC880] =	vst v63  }
0x8c: {  	s17 =	sadd.s32 $0x6A00, s16;
	s18 =	sadd.s32 $0x600, s16  }
0x8d: {  	[tilespmem:s17], [sflag:$0x1] =	stream.indirect.gather [hbm4b:s3+s10], $0x1, s18, s10, $0xb8;
	[tilespmem:$0xC880] =	vst v63  }
0x8e: {  	s17 =	sadd.s32 $0x6A80, s16;
	s18 =	sadd.s32 $0x680, s16  }
0x8f: {  	[tilespmem:s17], [sflag:$0x1] =	stream.indirect.gather [hbm4b:s3+s10], $0x1, s18, s10, $0xb8;
	[tilespmem:$0xC880] =	vst v63  }
0x90: {  	s17 =	sadd.s32 $0x6B00, s16;
	s18 =	sadd.s32 $0x700, s16  }
0x91: {  	[tilespmem:s17], [sflag:$0x1] =	stream.indirect.gather [hbm4b:s3+s10], $0x1, s18, s10, $0xb8;
	[tilespmem:$0xC880] =	vst v63  }
0x92: {  	s17 =	sadd.s32 $0x6B80, s16;
	s18 =	sadd.s32 $0x780, s16  }
0x93: {  	[tilespmem:s17], [sflag:$0x1] =	stream.indirect.gather [hbm4b:s3+s10], $0x1, s18, s10, $0xb8;
	[tilespmem:$0xC880] =	vst v63  }
0x94: {  	s17 =	sadd.s32 $0x6C00, s16;
	s18 =	sadd.s32 $0x800, s16  }
0x95: {  	[tilespmem:s17], [sflag:$0x1] =	stream.indirect.gather [hbm4b:s3+s10], $0x1, s18, s10, $0xb8;
	[tilespmem:$0xC880] =	vst v63  }
0x96: {  	s17 =	sadd.s32 $0x6C80, s16;
	s18 =	sadd.s32 $0x880, s16  }
0x97: {  	[tilespmem:s17], [sflag:$0x1] =	stream.indirect.gather [hbm4b:s3+s10], $0x1, s18, s10, $0xb8;
	[tilespmem:$0xC880] =	vst v63  }
0x98: {  	s17 =	sadd.s32 $0x6D00, s16;
	s18 =	sadd.s32 $0x900, s16  }
0x99: {  	[tilespmem:s17], [sflag:$0x1] =	stream.indirect.gather [hbm4b:s3+s10], $0x1, s18, s10, $0xb8;
	[tilespmem:$0xC880] =	vst v63  }
0x9a: {  	s17 =	sadd.s32 $0x6D80, s16;
	s16 =	sadd.s32 $0x980, s16  }
0x9b: {  	[tilespmem:s17], [sflag:$0x1] =	stream.indirect.gather [hbm4b:s3+s10], $0x1, s16, s10, $0xb8;
	[tilespmem:$0xC880] =	vst v63  }
0x9c: {  	_ =	swait.ge [sflag:s11], $0x80  }
0x9d: {  	[sflag:s11] =	ssyncset.done $0x0  }
0x9e: {  	[sflag:s11] =	ssyncadd.s32 $0xFFFFFF80  }
0x9f: {  	_ =	swait.ge [sflag:s11], $0x80  }
0xa0: {  	[sflag:s11] =	ssyncset.done $0x0  }
0xa1: {  	[sflag:s11] =	ssyncadd.s32 $0xFFFFFF80  }
0xa2: {  	_ =	swait.ge [sflag:s11], $0x80  }
0xa3: {  	[sflag:s11] =	ssyncset.done $0x0  }
0xa4: {  	[sflag:s11] =	ssyncadd.s32 $0xFFFFFF80  }
0xa5: {  	_ =	swait.ge [sflag:s11], $0x80  }
0xa6: {  	[sflag:s11] =	ssyncset.done $0x0  }
0xa7: {  	[sflag:s11] =	ssyncadd.s32 $0xFFFFFF80  }
0xa8: {  	_ =	swait.ge [sflag:s11], $0x80  }
0xa9: {  	[sflag:s11] =	ssyncset.done $0x0  }
0xaa: {  	[sflag:s11] =	ssyncadd.s32 $0xFFFFFF80  }
0xab: {  	_ =	swait.ge [sflag:s11], $0x80  }
0xac: {  	[sflag:s11] =	ssyncset.done $0x0  }
0xad: {  	[sflag:s11] =	ssyncadd.s32 $0xFFFFFF80  }
0xae: {  	_ =	swait.ge [sflag:s11], $0x80  }
0xaf: {  	[sflag:s11] =	ssyncset.done $0x0  }
0xb0: {  	[sflag:s11] =	ssyncadd.s32 $0xFFFFFF80  }
0xb1: {  	_ =	swait.ge [sflag:s11], $0x80  }
0xb2: {  	[sflag:s11] =	ssyncset.done $0x0  }
0xb3: {  	[sflag:s11] =	ssyncadd.s32 $0xFFFFFF80  }
0xb4: {  	_ =	swait.ge [sflag:s11], $0x80  }
0xb5: {  	[sflag:s11] =	ssyncset.done $0x0  }
0xb6: {  	[sflag:s11] =	ssyncadd.s32 $0xFFFFFF80  }
0xb7: {  	_ =	swait.ge [sflag:s11], $0x80  }
0xb8: {  	[sflag:s11] =	ssyncset.done $0x0  }
0xb9: {  	[sflag:s11] =	ssyncadd.s32 $0xFFFFFF80  }
0xba: {  	_ =	swait.ge [sflag:s11], $0x80  }
0xbb: {  	[sflag:s11] =	ssyncset.done $0x0  }
0xbc: {  	[sflag:s11] =	ssyncadd.s32 $0xFFFFFF80  }
0xbd: {  	_ =	swait.ge [sflag:s11], $0x80  }
0xbe: {  	[sflag:s11] =	ssyncset.done $0x0  }
0xbf: {  	[sflag:s11] =	ssyncadd.s32 $0xFFFFFF80  }
0xc0: {  	_ =	swait.ge [sflag:s11], $0x80  }
0xc1: {  	[sflag:s11] =	ssyncset.done $0x0  }
0xc2: {  	[sflag:s11] =	ssyncadd.s32 $0xFFFFFF80  }
0xc3: {  	_ =	swait.ge [sflag:s11], $0x80  }
0xc4: {  	[sflag:s11] =	ssyncset.done $0x0  }
0xc5: {  	[sflag:s11] =	ssyncadd.s32 $0xFFFFFF80  }
0xc6: {  	_ =	swait.ge [sflag:s11], $0x80  }
0xc7: {  	[sflag:s11] =	ssyncset.done $0x0  }
0xc8: {  	[sflag:s11] =	ssyncadd.s32 $0xFFFFFF80  }
0xc9: {  	_ =	swait.ge [sflag:s11], $0x80  }
0xca: {  	[sflag:s11] =	ssyncset.done $0x0  }
0xcb: {  	[sflag:s11] =	ssyncadd.s32 $0xFFFFFF80  }
0xcc: {  	_ =	swait.ge [sflag:s11], $0x80  }
0xcd: {  	[sflag:s11] =	ssyncset.done $0x0  }
0xce: {  	[sflag:s11] =	ssyncadd.s32 $0xFFFFFF80  }
0xcf: {  	_ =	swait.ge [sflag:s11], $0x80  }
0xd0: {  	[sflag:s11] =	ssyncset.done $0x0  }
0xd1: {  	[sflag:s11] =	ssyncadd.s32 $0xFFFFFF80  }
.Ltmp0:
0xd2: {  	_ =	swait.ge [sflag:s11], $0x80;
	(pc) =	sbr.rel @p0 .LBB2_2-.Ltmp0, $4  }
0xd3: {  	[sflag:s11] =	ssyncset.done $0x0  }
0xd4: {  	[sflag:s11] =	ssyncadd.s32 $0xFFFFFF80  }
0xd5: {  	_ =	swait.ge [sflag:s11], $0x80  }
0xd6: {  	s16 =	sshra.s32 s15, $0x2;
	s17 =	smov.u32 s14;
	[sflag:s11] =	ssyncset.done $0x0  }
0xd7: {  	s14 =	sadd.s32 $0x6400, s16;
	[sflag:s11] =	ssyncadd.s32 $0xFFFFFF80  }
0xd8: {  	[tilespmem:s14], [sflag:$0x1] =	stream.indirect.gather [hbm4b:s3+s10], $0x1, s16, s10, $0xb8;
	[tilespmem:$0xC880] =	vst v63  }
0xd9: {  	s22 =	sadd.s32 $0x6480, s16;
	s15 =	sadd.s32 $0x80, s16  }
0xda: {  	[tilespmem:s22], [sflag:$0x1] =	stream.indirect.gather [hbm4b:s3+s10], $0x1, s15, s10, $0xb8;
	[tilespmem:$0xC880] =	vst v63  }
0xdb: {  	s23 =	sadd.s32 $0x6500, s16;
	s24 =	sadd.s32 $0x100, s16  }
0xdc: {  	[tilespmem:s23], [sflag:$0x1] =	stream.indirect.gather [hbm4b:s3+s10], $0x1, s24, s10, $0xb8;
	[tilespmem:$0xC880] =	vst v63  }
0xdd: {  	s25 =	sadd.s32 $0x6580, s16;
	s26 =	sadd.s32 $0x180, s16  }
0xde: {  	[tilespmem:s25], [sflag:$0x1] =	stream.indirect.gather [hbm4b:s3+s10], $0x1, s26, s10, $0xb8;
	[tilespmem:$0xC880] =	vst v63  }
0xdf: {  	s28 =	sadd.s32 $0x6600, s16;
	s29 =	sadd.s32 $0x200, s16  }
0xe0: {  	[tilespmem:s28], [sflag:$0x1] =	stream.indirect.gather [hbm4b:s3+s10], $0x1, s29, s10, $0xb8;
	[tilespmem:$0xC880] =	vst v63  }
0xe1: {  	s30 =	sadd.s32 $0x6680, s16;
	s31 =	sadd.s32 $0x280, s16  }
0xe2: {  	[tilespmem:s30], [sflag:$0x1] =	stream.indirect.gather [hbm4b:s3+s10], $0x1, s31, s10, $0xb8;
	[tilespmem:$0xC880] =	vst v63  }
0xe3: {  	s17 =	sadd.s32 $0x6700, s16;
	s18 =	sadd.s32 $0x300, s16  }
0xe4: {  	[tilespmem:s17], [sflag:$0x1] =	stream.indirect.gather [hbm4b:s3+s10], $0x1, s18, s10, $0xb8;
	[tilespmem:$0xC880] =	vst v63  }
0xe5: {  	s19 =	sadd.s32 $0x6780, s16;
	s20 =	sadd.s32 $0x380, s16  }
0xe6: {  	[tilespmem:s19], [sflag:$0x1] =	stream.indirect.gather [hbm4b:s3+s10], $0x1, s20, s10, $0xb8;
	[tilespmem:$0xC880] =	vst v63  }
0xe7: {  	s21 =	sadd.s32 $0x6800, s16;
	s22 =	sadd.s32 $0x400, s16  }
0xe8: {  	[tilespmem:s21], [sflag:$0x1] =	stream.indirect.gather [hbm4b:s3+s10], $0x1, s22, s10, $0xb8;
	[tilespmem:$0xC880] =	vst v63  }
0xe9: {  	s23 =	sadd.s32 $0x6880, s16;
	s24 =	sadd.s32 $0x480, s16  }
0xea: {  	[tilespmem:s23], [sflag:$0x1] =	stream.indirect.gather [hbm4b:s3+s10], $0x1, s24, s10, $0xb8;
	[tilespmem:$0xC880] =	vst v63  }
0xeb: {  	s25 =	sadd.s32 $0x6900, s16;
	s26 =	sadd.s32 $0x500, s16  }
0xec: {  	[tilespmem:s25], [sflag:$0x1] =	stream.indirect.gather [hbm4b:s3+s10], $0x1, s26, s10, $0xb8;
	[tilespmem:$0xC880] =	vst v63  }
0xed: {  	s28 =	sadd.s32 $0x6980, s16;
	s29 =	sadd.s32 $0x580, s16  }
0xee: {  	[tilespmem:s28], [sflag:$0x1] =	stream.indirect.gather [hbm4b:s3+s10], $0x1, s29, s10, $0xb8;
	[tilespmem:$0xC880] =	vst v63  }
0xef: {  	s30 =	sadd.s32 $0x6A00, s16;
	s31 =	sadd.s32 $0x600, s16  }
0xf0: {  	[tilespmem:s30], [sflag:$0x1] =	stream.indirect.gather [hbm4b:s3+s10], $0x1, s31, s10, $0xb8;
	[tilespmem:$0xC880] =	vst v63  }
0xf1: {  	s15 =	sadd.s32 $0x6A80, s16;
	s17 =	sadd.s32 $0x680, s16  }
0xf2: {  	[tilespmem:s15], [sflag:$0x1] =	stream.indirect.gather [hbm4b:s3+s10], $0x1, s17, s10, $0xb8;
	[tilespmem:$0xC880] =	vst v63  }
0xf3: {  	s18 =	sadd.s32 $0x6B00, s16;
	s19 =	sadd.s32 $0x700, s16  }
0xf4: {  	[tilespmem:s18], [sflag:$0x1] =	stream.indirect.gather [hbm4b:s3+s10], $0x1, s19, s10, $0xb8;
	[tilespmem:$0xC880] =	vst v63  }
0xf5: {  	s20 =	sadd.s32 $0x6B80, s16;
	s21 =	sadd.s32 $0x780, s16  }
0xf6: {  	[tilespmem:s20], [sflag:$0x1] =	stream.indirect.gather [hbm4b:s3+s10], $0x1, s21, s10, $0xb8;
	[tilespmem:$0xC880] =	vst v63  }
0xf7: {  	s22 =	sadd.s32 $0x6C00, s16;
	s23 =	sadd.s32 $0x800, s16  }
0xf8: {  	[tilespmem:s22], [sflag:$0x1] =	stream.indirect.gather [hbm4b:s3+s10], $0x1, s23, s10, $0xb8;
	[tilespmem:$0xC880] =	vst v63  }
0xf9: {  	s24 =	sadd.s32 $0x6C80, s16;
	s25 =	sadd.s32 $0x880, s16  }
0xfa: {  	[tilespmem:s24], [sflag:$0x1] =	stream.indirect.gather [hbm4b:s3+s10], $0x1, s25, s10, $0xb8;
	[tilespmem:$0xC880] =	vst v63  }
0xfb: {  	s26 =	sadd.s32 $0x6D00, s16;
	s28 =	sadd.s32 $0x900, s16  }
0xfc: {  	[tilespmem:s26], [sflag:$0x1] =	stream.indirect.gather [hbm4b:s3+s10], $0x1, s28, s10, $0xb8;
	[tilespmem:$0xC880] =	vst v63  }
0xfd: {  	s29 =	sadd.s32 $0x6D80, s16;
	s30 =	sadd.s32 $0x980, s16  }
0xfe: {  	[tilespmem:s29], [sflag:$0x1] =	stream.indirect.gather [hbm4b:s3+s10], $0x1, s30, s10, $0xb8;
	[tilespmem:$0xC880] =	vst v63  }
0xff: {  	_ =	swait.ge [sflag:s11], $0x80  }
0x100: {  	[sflag:s11] =	ssyncset.done $0x0  }
0x101: {  	[sflag:s11] =	ssyncadd.s32 $0xFFFFFF80  }
0x102: {  	_ =	swait.ge [sflag:s11], $0x80  }
0x103: {  	[sflag:s11] =	ssyncset.done $0x0  }
0x104: {  	[sflag:s11] =	ssyncadd.s32 $0xFFFFFF80  }
0x105: {  	_ =	swait.ge [sflag:s11], $0x80  }
0x106: {  	[sflag:s11] =	ssyncset.done $0x0  }
0x107: {  	[sflag:s11] =	ssyncadd.s32 $0xFFFFFF80  }
0x108: {  	_ =	swait.ge [sflag:s11], $0x80  }
0x109: {  	[sflag:s11] =	ssyncset.done $0x0  }
0x10a: {  	[sflag:s11] =	ssyncadd.s32 $0xFFFFFF80  }
0x10b: {  	_ =	swait.ge [sflag:s11], $0x80  }
0x10c: {  	[sflag:s11] =	ssyncset.done $0x0  }
0x10d: {  	[sflag:s11] =	ssyncadd.s32 $0xFFFFFF80  }
0x10e: {  	_ =	swait.ge [sflag:s11], $0x80  }
0x10f: {  	[sflag:s11] =	ssyncset.done $0x0  }
0x110: {  	[sflag:s11] =	ssyncadd.s32 $0xFFFFFF80  }
0x111: {  	_ =	swait.ge [sflag:s11], $0x80  }
0x112: {  	[sflag:s11] =	ssyncset.done $0x0  }
0x113: {  	[sflag:s11] =	ssyncadd.s32 $0xFFFFFF80  }
0x114: {  	_ =	swait.ge [sflag:s11], $0x80  }
0x115: {  	[sflag:s11] =	ssyncset.done $0x0  }
0x116: {  	[sflag:s11] =	ssyncadd.s32 $0xFFFFFF80  }
0x117: {  	_ =	swait.ge [sflag:s11], $0x80  }
0x118: {  	[sflag:s11] =	ssyncset.done $0x0  }
0x119: {  	[sflag:s11] =	ssyncadd.s32 $0xFFFFFF80  }
0x11a: {  	_ =	swait.ge [sflag:s11], $0x80  }
0x11b: {  	[sflag:s11] =	ssyncset.done $0x0  }
0x11c: {  	[sflag:s11] =	ssyncadd.s32 $0xFFFFFF80  }
0x11d: {  	_ =	swait.ge [sflag:s11], $0x80  }
0x11e: {  	[sflag:s11] =	ssyncset.done $0x0  }
0x11f: {  	[sflag:s11] =	ssyncadd.s32 $0xFFFFFF80  }
0x120: {  	_ =	swait.ge [sflag:s11], $0x80  }
0x121: {  	[sflag:s11] =	ssyncset.done $0x0  }
0x122: {  	[sflag:s11] =	ssyncadd.s32 $0xFFFFFF80  }
0x123: {  	_ =	swait.ge [sflag:s11], $0x80  }
0x124: {  	[sflag:s11] =	ssyncset.done $0x0  }
0x125: {  	[sflag:s11] =	ssyncadd.s32 $0xFFFFFF80  }
0x126: {  	_ =	swait.ge [sflag:s11], $0x80  }
0x127: {  	[sflag:s11] =	ssyncset.done $0x0  }
0x128: {  	[sflag:s11] =	ssyncadd.s32 $0xFFFFFF80  }
0x129: {  	_ =	swait.ge [sflag:s11], $0x80  }
0x12a: {  	[sflag:s11] =	ssyncset.done $0x0  }
0x12b: {  	[sflag:s11] =	ssyncadd.s32 $0xFFFFFF80  }
0x12c: {  	_ =	swait.ge [sflag:s11], $0x80  }
0x12d: {  	[sflag:s11] =	ssyncset.done $0x0  }
0x12e: {  	[sflag:s11] =	ssyncadd.s32 $0xFFFFFF80  }
0x12f: {  	_ =	swait.ge [sflag:s11], $0x80  }
0x130: {  	[sflag:s11] =	ssyncset.done $0x0  }
0x131: {  	[sflag:s11] =	ssyncadd.s32 $0xFFFFFF80  }
0x132: {  	_ =	swait.ge [sflag:s11], $0x80  }
0x133: {  	[sflag:s11] =	ssyncset.done $0x0  }
0x134: {  	[sflag:s11] =	ssyncadd.s32 $0xFFFFFF80  }
0x135: {  	_ =	swait.ge [sflag:s11], $0x80  }
0x136: {  	[sflag:s11] =	ssyncset.done $0x0  }
0x137: {  	[sflag:s11] =	ssyncadd.s32 $0xFFFFFF80  }
0x138: {  	_ =	swait.ge [sflag:s11], $0x80  }
0x139: {  	[sflag:s11] =	ssyncset.done $0x0  }
0x13a: {  	s31 =	simm.s32 $0x0;
	[sflag:s11] =	ssyncadd.s32 $0xFFFFFF80  }
0x13b: {  	v0 =	vimm.f32 $0.0e+00;
	s14 =	simm.s32 $0x200;
	v1 =	vld [tilespmem:s31+$0x6400]  }
.LBB2_4:
0x13c: {  	p0 =	sne.s32 s14, $0x18E00  }
.Ltmp1:
0x13d: {  	_ = 	snop;
	(pc) =	sbr.rel @p0 .LBB2_4-.Ltmp1, $3  }
0x13e: {  	_ =	sdelay $0x1  }
0x13f: {  	s15 =	sshra.s32 s14, $0x2;
	s14 =	sadd.s32 $0x200, s14;
	v0 =	vadd.f32 v1, v0  }
0x140: {  	v1 =	vld [tilespmem:s15+$0x6400]  }
0x141: {  	_ =	sdelay $0x3  }
0x142: {  	v0 =	vadd.f32 v1, v0;
	_ =	sdelay $0x1  }
0x143: {  	s15 =	simm.s32 $0x10;
	[tilespmem:$0xC800] =	vst v0  }
0x144: {  	s14 =	simm.s32 $0x240;
	v0 =	vimm.f32 $0.0e+00;
	v1 =	vld [tilespmem:s15+$0x6400]  }
.LBB2_6:
0x145: {  	p0 =	sne.s32 s14, $0x18E40  }
.Ltmp2:
0x146: {  	_ = 	snop;
	(pc) =	sbr.rel @p0 .LBB2_6-.Ltmp2, $3  }
0x147: {  	_ =	sdelay $0x1  }
0x148: {  	s15 =	sshra.s32 s14, $0x2;
	s14 =	sadd.s32 $0x200, s14;
	v0 =	vadd.f32 v1, v0  }
0x149: {  	v1 =	vld [tilespmem:s15+$0x6400]  }
0x14a: {  	_ =	sdelay $0x3  }
0x14b: {  	v0 =	vadd.f32 v1, v0;
	_ =	sdelay $0x1  }
0x14c: {  	s15 =	simm.s32 $0x20;
	[tilespmem:$0xC810] =	vst v0  }
0x14d: {  	s14 =	simm.s32 $0x280;
	v0 =	vimm.f32 $0.0e+00;
	v1 =	vld [tilespmem:s15+$0x6400]  }
.LBB2_8:
0x14e: {  	p0 =	sne.s32 s14, $0x18E80  }
.Ltmp3:
0x14f: {  	_ = 	snop;
	(pc) =	sbr.rel @p0 .LBB2_8-.Ltmp3, $3  }
0x150: {  	_ =	sdelay $0x1  }
0x151: {  	s15 =	sshra.s32 s14, $0x2;
	s14 =	sadd.s32 $0x200, s14;
	v0 =	vadd.f32 v1, v0  }
0x152: {  	v1 =	vld [tilespmem:s15+$0x6400]  }
0x153: {  	_ =	sdelay $0x3  }
0x154: {  	v0 =	vadd.f32 v1, v0;
	_ =	sdelay $0x1  }
0x155: {  	s15 =	simm.s32 $0x30;
	[tilespmem:$0xC820] =	vst v0  }
0x156: {  	s14 =	simm.s32 $0x2C0;
	v0 =	vimm.f32 $0.0e+00;
	v1 =	vld [tilespmem:s15+$0x6400]  }
.LBB2_10:
0x157: {  	p0 =	sne.s32 s14, $0x18EC0  }
.Ltmp4:
0x158: {  	_ = 	snop;
	(pc) =	sbr.rel @p0 .LBB2_10-.Ltmp4, $3  }
0x159: {  	_ =	sdelay $0x1  }
0x15a: {  	s15 =	sshra.s32 s14, $0x2;
	s14 =	sadd.s32 $0x200, s14;
	v0 =	vadd.f32 v1, v0  }
0x15b: {  	v1 =	vld [tilespmem:s15+$0x6400]  }
0x15c: {  	_ =	sdelay $0x3  }
0x15d: {  	v0 =	vadd.f32 v1, v0;
	_ =	sdelay $0x1  }
0x15e: {  	s15 =	simm.s32 $0x40;
	[tilespmem:$0xC830] =	vst v0  }
0x15f: {  	s14 =	simm.s32 $0x300;
	v0 =	vimm.f32 $0.0e+00;
	v1 =	vld [tilespmem:s15+$0x6400]  }
.LBB2_12:
0x160: {  	p0 =	sne.s32 s14, $0x18F00  }
.Ltmp5:
0x161: {  	_ = 	snop;
	(pc) =	sbr.rel @p0 .LBB2_12-.Ltmp5, $3  }
0x162: {  	_ =	sdelay $0x1  }
0x163: {  	s15 =	sshra.s32 s14, $0x2;
	s14 =	sadd.s32 $0x200, s14;
	v0 =	vadd.f32 v1, v0  }
0x164: {  	v1 =	vld [tilespmem:s15+$0x6400]  }
0x165: {  	_ =	sdelay $0x3  }
0x166: {  	v0 =	vadd.f32 v1, v0;
	_ =	sdelay $0x1  }
0x167: {  	s15 =	simm.s32 $0x50;
	[tilespmem:$0xC840] =	vst v0  }
0x168: {  	s14 =	simm.s32 $0x340;
	v0 =	vimm.f32 $0.0e+00;
	v1 =	vld [tilespmem:s15+$0x6400]  }
.LBB2_14:
0x169: {  	p0 =	sne.s32 s14, $0x18F40  }
.Ltmp6:
0x16a: {  	_ = 	snop;
	(pc) =	sbr.rel @p0 .LBB2_14-.Ltmp6, $3  }
0x16b: {  	_ =	sdelay $0x1  }
0x16c: {  	s15 =	sshra.s32 s14, $0x2;
	s14 =	sadd.s32 $0x200, s14;
	v0 =	vadd.f32 v1, v0  }
0x16d: {  	v1 =	vld [tilespmem:s15+$0x6400]  }
0x16e: {  	_ =	sdelay $0x3  }
0x16f: {  	v0 =	vadd.f32 v1, v0;
	_ =	sdelay $0x1  }
0x170: {  	s15 =	simm.s32 $0x60;
	[tilespmem:$0xC850] =	vst v0  }
0x171: {  	s14 =	simm.s32 $0x380;
	v0 =	vimm.f32 $0.0e+00;
	v1 =	vld [tilespmem:s15+$0x6400]  }
.LBB2_16:
0x172: {  	p0 =	sne.s32 s14, $0x18F80  }
.Ltmp7:
0x173: {  	_ = 	snop;
	(pc) =	sbr.rel @p0 .LBB2_16-.Ltmp7, $3  }
0x174: {  	_ =	sdelay $0x1  }
0x175: {  	s15 =	sshra.s32 s14, $0x2;
	s14 =	sadd.s32 $0x200, s14;
	v0 =	vadd.f32 v1, v0  }
0x176: {  	v1 =	vld [tilespmem:s15+$0x6400]  }
0x177: {  	_ =	sdelay $0x3  }
0x178: {  	v0 =	vadd.f32 v1, v0;
	_ =	sdelay $0x1  }
0x179: {  	s15 =	simm.s32 $0x70;
	[tilespmem:$0xC860] =	vst v0  }
0x17a: {  	s14 =	simm.s32 $0x3C0;
	v0 =	vimm.f32 $0.0e+00;
	v1 =	vld [tilespmem:s15+$0x6400]  }
.LBB2_18:
0x17b: {  	p0 =	sne.s32 s14, $0x18FC0  }
.Ltmp8:
0x17c: {  	_ = 	snop;
	(pc) =	sbr.rel @p0 .LBB2_18-.Ltmp8, $3  }
0x17d: {  	_ =	sdelay $0x1  }
0x17e: {  	s15 =	sshra.s32 s14, $0x2;
	s14 =	sadd.s32 $0x200, s14;
	v0 =	vadd.f32 v1, v0  }
0x17f: {  	v1 =	vld [tilespmem:s15+$0x6400]  }
0x180: {  	_ =	sdelay $0x3  }
0x181: {  	s13 =	sadd.s32 $0x1, s13;
	v0 =	vadd.f32 v1, v0  }
0x182: {  	p0 =	sne.s32 s13, s6  }
.Ltmp9:
0x183: {  	[tilespmem:$0xC870] =	vst v0;
	(pc) =	sbr.rel @p0 .LBB2_1-.Ltmp9, $4  }
0x184: {  	[hbm4b:s5+s2] =	stream.linear.scatter [tilespmem:s12], [sflag:$0x2], $0x80, $0x38;
	[tilespmem:$0xC880] =	vst v63  }
0x185: {  	_ =	swait.ge [sflag:s9], $0x80  }
0x186: {  	[sflag:s9] =	ssyncset.done $0x0  }
0x187: {  	[sflag:s9] =	ssyncadd.s32 $0xFFFFFF80  }
0x188: {  	_ =	sfence.sel $0x180000  }
0x189: {  	[bflag:$0x0] =	sbarrier.arrive $0xFFFF  }
0x18a: {  	p0 =	sne.s32 s1, $0x0;
	_ =	strace $0x90000047  }
0x18b: {  	s0 =	sadd.s32 @!p0 $0x100000, s0;
	[bflag:$0x2] =	sbarrier.arrive $0xFFFF  }
0x18c: {  	[sflag:s0] =	ssyncadd.tile.s32 @!p0 $0x1;
	_ =	shalt  }
.Lfunc_end2:
_tile_overlayer_lowered:
.L_overlay_start_2:
0x18d: {  	(tag) =	ssettag $0x2  }
0x18e: {  	s0 =	rddreg [dreg:$0x0];
	s2 =	stileid.u32  }
0x18f: {  	s1 =	rddreg [dreg:$0x1];
	p0 =	sne.s32 s2, $0x0  }
0x190: {  	s3 =	rddreg [dreg:$0x2];
	[bflag:$0x3] =	sbarrier.arrive $0xFFFF;
	s2 =	simm.s32 @!p0 $0x1C02  }
0x191: {  	[timem:s3], [sflag:s2] =	dma.local @!p0 [hbm:s0], s1  }
0x192: {  	s0 =	simm.s32 @!p0 $0x2  }
0x193: {  	_ =	swait.ge @!p0 [sflag:s0], s1  }
0x194: {  	s1 =	ssub.s32 @!p0 $0x0, s1;
	[sflag:s0] =	ssyncset.done @!p0 $0x0  }
0x195: {  	[sflag:s0] =	ssyncadd.s32 @!p0 s1  }
0x196: {  	[bflag:$0x3] =	sbarrier.arrive $0xFFFF  }
0x197: {  	_ =	shalt  }

</sc_bundles>
